<compile_context>
chip_gen: v7x
topology: tpu7x:2x2x1
jax: 0.10.2.dev20260603
libtpu: 0.0.44.dev20260713+nightly
codegen_flags: <defaults>
</compile_context>

<pallas_src>
import functools

import jax
import jax.numpy as jnp
from jax import lax
from jax.experimental import pallas as pl
from jax.experimental.pallas import tpu as pltpu
from jax.experimental.pallas import tpu_sc as plsc


def kernel(rel_pos_emb, seq_len):
    del seq_len
    V, D = rel_pos_emb.shape
    N = (V + 1) // 2

    info = plsc.get_sparse_core_info()
    NC, NS = info.num_cores, info.num_subcores
    rpw = N // 16
    JC = N // 2
    win = JC + 8 * (rpw - 1)

    mesh = plsc.VectorSubcoreMesh(core_axis_name="c", subcore_axis_name="s")

    @functools.partial(
        pl.kernel,
        mesh=mesh,
        out_type=jax.ShapeDtypeStruct((N, N, D), jnp.float32),
        scratch_types=[
            pltpu.VMEM((win, D), jnp.float32),
            pltpu.SemaphoreType.DMA,
        ],
    )
    def sliding_copy(t8_hbm, out_hbm, buf, sem):
        c = lax.axis_index("c")
        s = lax.axis_index("s")
        wid = s * NC + c
        rcls = wid % 8
        g = (wid // 8) % 2
        j0 = (wid // 16) * JC
        i_base = 7 - rcls + 8 * rpw * g
        b_last = N - 8 - 8 * (rpw * g + rpw - 1)
        base = pl.multiple_of(b_last + j0, 8)
        pltpu.sync_copy(t8_hbm.at[rcls, pl.ds(base, win)], buf)
        copies = []
        for m in range(rpw):
            off = 8 * (rpw - 1 - m)
            copies.append(
                pltpu.async_copy(
                    buf.at[pl.ds(off, JC)],
                    out_hbm.at[i_base + 8 * m, pl.ds(j0, JC)],
                    sem,
                )
            )
        for cp in copies:
            cp.wait()

    def t8_body(tab_ref, out_ref):
        x = tab_ref[...]
        xp = jnp.concatenate([x, x[V - 1 :]], axis=0)
        for s in range(8):
            out_ref[s] = pltpu.roll(xp, (2 * N - s) % (2 * N), 0)

    t8 = pl.pallas_call(
        t8_body,
        out_shape=jax.ShapeDtypeStruct((8, 2 * N, D), jnp.float32),
    )(rel_pos_emb)
    return sliding_copy(t8)

# --- scband reference (transcript-rebuilt; emitter-appended) ---
"""Pipeline reference for scband-relative-positional-encoding-40553081209122 (READ-ONLY COPY).

The authoritative reference and input builder live on the scoring server;
editing this copy changes nothing except your own understanding.
"""

import jax, jax.numpy as jnp
import numpy as np

MAX_LEN = 512
D_MODEL = 256

def setup_inputs(seed: int = 0) -> dict:
    key = jax.random.key(seed)
    rel_pos_emb = jax.random.normal(key, (2 * MAX_LEN - 1, D_MODEL), dtype=jnp.float32)
    return {"rel_pos_emb": rel_pos_emb, "seq_len": 512}

def reference(rel_pos_emb, seq_len):
    static_len = (rel_pos_emb.shape[0] + 1) // 2
    positions = jnp.arange(static_len) + (seq_len - static_len)
    rel_pos = positions[None, :] - positions[:, None]
    rel_pos = rel_pos + MAX_LEN - 1
    rel_pos = jnp.clip(rel_pos, 0, 2 * MAX_LEN - 2)
    return jnp.take(rel_pos_emb, rel_pos, axis=0)

if __name__ == "__main__":
    import jax
    _d = setup_inputs()
    print(jax.jit(kernel)(*tuple(_d.values())))

</pallas_src>

<mosaic_0001>
#map = affine_map<(d0, d1) -> (0, 0, 0)>
module attributes {stable_mosaic.version = 14 : i64} {
  func.func @sliding_copy(%arg0: i32, %arg1: i32, %arg2: memref<8x1024x256xf32, #tpu.memory_space<hbm>>, %arg3: memref<512x512x256xf32, #tpu.memory_space<hbm>>, %arg4: memref<504x256xf32, #tpu.memory_space<vmem>>, %arg5: memref<!tpu.dma_semaphore, #tpu.memory_space<semaphore_mem>>) attributes {dimension_semantics = [#tpu.dimension_semantics<core_parallel>, #tpu.dimension_semantics<subcore_parallel>], iteration_bounds = array<i64: 2, 16>, scalar_prefetch = 0 : i64, scratch_operands = 2 : i64, tpu.core_type = #tpu.core_type<sc_vector_subcore>, window_params = [{transform_indices = #map}, {transform_indices = #map}]} {
    %mul3A = arith.constant 2 : i32
    %mul3A_0 = arith.muli %arg1, %mul3A : i32
    %add3A = arith.addi %mul3A_0, %arg0 : i32
    %jit3A = arith.constant 8 : i32
    %eq3A = arith.constant 0 : i32
    %eq3A_1 = arith.cmpi eq, %jit3A, %eq3A : i32
    %jit3A_2 = arith.constant 1 : i32
    %select_n3A = arith.select %eq3A_1, %jit3A_2, %jit3A : i32
    %rem3A = arith.remsi %add3A, %select_n3A : i32
    %ne3A = arith.constant 0 : i32
    %ne3A_3 = arith.cmpi ne, %rem3A, %ne3A : i32
    %lt3A = arith.constant 0 : i32
    %lt3A_4 = arith.cmpi slt, %rem3A, %lt3A : i32
    %lt3A_5 = arith.constant 0 : i32
    %lt3A_6 = arith.cmpi slt, %select_n3A, %lt3A_5 : i32
    %ne3A_7 = arith.xori %lt3A_4, %lt3A_6 : i1
    %and3A = arith.andi %ne3A_7, %ne3A_3 : i1
    %add3A_8 = arith.addi %rem3A, %select_n3A : i32
    %select_n3A_9 = arith.select %and3A, %add3A_8, %rem3A : i32
    %jit3A_10 = arith.constant 8 : i32
    %div3A = arith.divsi %add3A, %jit3A_10 : i32
    %sign3A = arith.constant 0 : i32
    %sign3A_11 = arith.cmpi sgt, %add3A, %sign3A : i32
    %sign3A_12 = arith.extui %sign3A_11 : i1 to i32
    %sign3A_13 = arith.constant 0 : i32
    %sign3A_14 = arith.cmpi slt, %add3A, %sign3A_13 : i32
    %sign3A_15 = arith.extui %sign3A_14 : i1 to i32
    %sign3A_16 = arith.subi %sign3A_12, %sign3A_15 : i32
    %sign3A_17 = arith.constant 0 : i32
    %sign3A_18 = arith.cmpi sgt, %jit3A_10, %sign3A_17 : i32
    %sign3A_19 = arith.extui %sign3A_18 : i1 to i32
    %sign3A_20 = arith.constant 0 : i32
    %sign3A_21 = arith.cmpi slt, %jit3A_10, %sign3A_20 : i32
    %sign3A_22 = arith.extui %sign3A_21 : i1 to i32
    %sign3A_23 = arith.subi %sign3A_19, %sign3A_22 : i32
    %ne3A_24 = arith.cmpi ne, %sign3A_16, %sign3A_23 : i32
    %rem3A_25 = arith.remsi %add3A, %jit3A_10 : i32
    %ne3A_26 = arith.constant 0 : i32
    %ne3A_27 = arith.cmpi ne, %rem3A_25, %ne3A_26 : i32
    %and3A_28 = arith.andi %ne3A_24, %ne3A_27 : i1
    %sub3A = arith.constant 1 : i32
    %sub3A_29 = arith.subi %div3A, %sub3A : i32
    %select_n3A_30 = arith.select %and3A_28, %sub3A_29, %div3A : i32
    %jit3A_31 = arith.constant 2 : i32
    %eq3A_32 = arith.constant 0 : i32
    %eq3A_33 = arith.cmpi eq, %jit3A_31, %eq3A_32 : i32
    %jit3A_34 = arith.constant 1 : i32
    %select_n3A_35 = arith.select %eq3A_33, %jit3A_34, %jit3A_31 : i32
    %rem3A_36 = arith.remsi %select_n3A_30, %select_n3A_35 : i32
    %ne3A_37 = arith.constant 0 : i32
    %ne3A_38 = arith.cmpi ne, %rem3A_36, %ne3A_37 : i32
    %lt3A_39 = arith.constant 0 : i32
    %lt3A_40 = arith.cmpi slt, %rem3A_36, %lt3A_39 : i32
    %lt3A_41 = arith.constant 0 : i32
    %lt3A_42 = arith.cmpi slt, %select_n3A_35, %lt3A_41 : i32
    %ne3A_43 = arith.xori %lt3A_40, %lt3A_42 : i1
    %and3A_44 = arith.andi %ne3A_43, %ne3A_38 : i1
    %add3A_45 = arith.addi %rem3A_36, %select_n3A_35 : i32
    %select_n3A_46 = arith.select %and3A_44, %add3A_45, %rem3A_36 : i32
    %jit3A_47 = arith.constant 16 : i32
    %div3A_48 = arith.divsi %add3A, %jit3A_47 : i32
    %sign3A_49 = arith.constant 0 : i32
    %sign3A_50 = arith.cmpi sgt, %add3A, %sign3A_49 : i32
    %sign3A_51 = arith.extui %sign3A_50 : i1 to i32
    %sign3A_52 = arith.constant 0 : i32
    %sign3A_53 = arith.cmpi slt, %add3A, %sign3A_52 : i32
    %sign3A_54 = arith.extui %sign3A_53 : i1 to i32
    %sign3A_55 = arith.subi %sign3A_51, %sign3A_54 : i32
    %sign3A_56 = arith.constant 0 : i32
    %sign3A_57 = arith.cmpi sgt, %jit3A_47, %sign3A_56 : i32
    %sign3A_58 = arith.extui %sign3A_57 : i1 to i32
    %sign3A_59 = arith.constant 0 : i32
    %sign3A_60 = arith.cmpi slt, %jit3A_47, %sign3A_59 : i32
    %sign3A_61 = arith.extui %sign3A_60 : i1 to i32
    %sign3A_62 = arith.subi %sign3A_58, %sign3A_61 : i32
    %ne3A_63 = arith.cmpi ne, %sign3A_55, %sign3A_62 : i32
    %rem3A_64 = arith.remsi %add3A, %jit3A_47 : i32
    %ne3A_65 = arith.constant 0 : i32
    %ne3A_66 = arith.cmpi ne, %rem3A_64, %ne3A_65 : i32
    %and3A_67 = arith.andi %ne3A_63, %ne3A_66 : i1
    %sub3A_68 = arith.constant 1 : i32
    %sub3A_69 = arith.subi %div3A_48, %sub3A_68 : i32
    %select_n3A_70 = arith.select %and3A_67, %sub3A_69, %div3A_48 : i32
    %mul3A_71 = arith.constant 256 : i32
    %mul3A_72 = arith.muli %select_n3A_70, %mul3A_71 : i32
    %sub3A_73 = arith.constant 7 : i32
    %sub3A_74 = arith.subi %sub3A_73, %select_n3A_9 : i32
    %mul3A_75 = arith.constant 256 : i32
    %mul3A_76 = arith.muli %mul3A_75, %select_n3A_46 : i32
    %add3A_77 = arith.addi %sub3A_74, %mul3A_76 : i32
    %mul3A_78 = arith.constant 32 : i32
    %mul3A_79 = arith.muli %mul3A_78, %select_n3A_46 : i32
    %add3A_80 = arith.constant 32 : i32
    %add3A_81 = arith.addi %mul3A_79, %add3A_80 : i32
    %sub3A_82 = arith.constant 1 : i32
    %sub3A_83 = arith.subi %add3A_81, %sub3A_82 : i32
    %mul3A_84 = arith.constant 8 : i32
    %mul3A_85 = arith.muli %mul3A_84, %sub3A_83 : i32
    %sub3A_86 = arith.constant 504 : i32
    %sub3A_87 = arith.subi %sub3A_86, %mul3A_85 : i32
    %add3A_88 = arith.addi %sub3A_87, %mul3A_72 : i32
    %multiple_of3A = tpu.assume_multiple %add3A_88, 8 : i32
    "tpu.region"() ({
      %run_scoped3A = tpu.sem_alloc : memref<!tpu.dma_semaphore, #tpu.memory_space<semaphore_mem>>
      %dma_start3A_919 = arith.constant 0 : i32
      %dma_start3A_920 = tpu.memref_slice %arg2[%select_n3A_9, %multiple_of3A, %dma_start3A_919] : memref<8x1024x256xf32, #tpu.memory_space<hbm>> -> memref<1x504x256xf32, #tpu.memory_space<hbm>>
      %dma_start3A_921 = tpu.memref_squeeze %dma_start3A_920 : memref<1x504x256xf32, #tpu.memory_space<hbm>> -> memref<504x256xf32, #tpu.memory_space<hbm>>
      %dma_start3A_922 = arith.constant 0 : i32
      %dma_start3A_923 = tpu.memref_slice %arg2[%select_n3A_9, %multiple_of3A, %dma_start3A_922] : memref<8x1024x256xf32, #tpu.memory_space<hbm>> -> memref<1x504x256xf32, #tpu.memory_space<hbm>>
      %dma_start3A_924 = tpu.memref_squeeze %dma_start3A_923 : memref<1x504x256xf32, #tpu.memory_space<hbm>> -> memref<504x256xf32, #tpu.memory_space<hbm>>
      tpu.enqueue_dma source(%dma_start3A_924 : memref<504x256xf32, #tpu.memory_space<hbm>>) target(%arg4 : memref<504x256xf32, #tpu.memory_space<vmem>>) target_semaphore(%run_scoped3A : memref<!tpu.dma_semaphore, #tpu.memory_space<semaphore_mem>>)
      %dma_wait3A_925 = arith.constant 0 : i32
      %dma_wait3A_926 = tpu.memref_slice %arg2[%select_n3A_9, %multiple_of3A, %dma_wait3A_925] : memref<8x1024x256xf32, #tpu.memory_space<hbm>> -> memref<1x504x256xf32, #tpu.memory_space<hbm>>
      %dma_wait3A_927 = tpu.memref_squeeze %dma_wait3A_926 : memref<1x504x256xf32, #tpu.memory_space<hbm>> -> memref<504x256xf32, #tpu.memory_space<hbm>>
      %dma_wait3A_928 = arith.constant 0 : i32
      %dma_wait3A_929 = tpu.memref_slice %arg2[%select_n3A_9, %multiple_of3A, %dma_wait3A_928] : memref<8x1024x256xf32, #tpu.memory_space<hbm>> -> memref<1x504x256xf32, #tpu.memory_space<hbm>>
      %dma_wait3A_930 = tpu.memref_squeeze %dma_wait3A_929 : memref<1x504x256xf32, #tpu.memory_space<hbm>> -> memref<504x256xf32, #tpu.memory_space<hbm>>
      tpu.wait_dma2 semaphore(%run_scoped3A : memref<!tpu.dma_semaphore, #tpu.memory_space<semaphore_mem>>) src(%dma_wait3A_930 : memref<504x256xf32, #tpu.memory_space<hbm>>) dst(%arg4 : memref<504x256xf32, #tpu.memory_space<vmem>>)
      tpu.yield
    }) : () -> ()
    %add3A_89 = arith.constant 0 : i32
    %add3A_90 = arith.addi %add3A_77, %add3A_89 : i32
    %dma_start3A = arith.constant 248 : i32
    %dma_start3A_91 = arith.constant 0 : i32
    %dma_start3A_92 = tpu.memref_slice %arg4[%dma_start3A, %dma_start3A_91] : memref<504x256xf32, #tpu.memory_space<vmem>> -> memref<256x256xf32, #tpu.memory_space<vmem>>
    %dma_start3A_93 = arith.constant 0 : i32
    %dma_start3A_94 = tpu.memref_slice %arg3[%add3A_90, %mul3A_72, %dma_start3A_93] : memref<512x512x256xf32, #tpu.memory_space<hbm>> -> memref<1x256x256xf32, #tpu.memory_space<hbm>>
    %dma_start3A_95 = tpu.memref_squeeze %dma_start3A_94 : memref<1x256x256xf32, #tpu.memory_space<hbm>> -> memref<256x256xf32, #tpu.memory_space<hbm>>
    %dma_start3A_96 = arith.constant 0 : i32
    %dma_start3A_97 = tpu.memref_slice %arg3[%add3A_90, %mul3A_72, %dma_start3A_96] : memref<512x512x256xf32, #tpu.memory_space<hbm>> -> memref<1x256x256xf32, #tpu.memory_space<hbm>>
    %dma_start3A_98 = tpu.memref_squeeze %dma_start3A_97 : memref<1x256x256xf32, #tpu.memory_space<hbm>> -> memref<256x256xf32, #tpu.memory_space<hbm>>
    %dma_start3A_99 = arith.constant 248 : i32
    %dma_start3A_100 = arith.constant 0 : i32
    %dma_start3A_101 = tpu.memref_slice %arg4[%dma_start3A_99, %dma_start3A_100] : memref<504x256xf32, #tpu.memory_space<vmem>> -> memref<256x256xf32, #tpu.memory_space<vmem>>
    tpu.enqueue_dma source(%dma_start3A_101 : memref<256x256xf32, #tpu.memory_space<vmem>>) target(%dma_start3A_98 : memref<256x256xf32, #tpu.memory_space<hbm>>) target_semaphore(%arg5 : memref<!tpu.dma_semaphore, #tpu.memory_space<semaphore_mem>>)
    %add3A_102 = arith.constant 8 : i32
    %add3A_103 = arith.addi %add3A_77, %add3A_102 : i32
    %dma_start3A_104 = arith.constant 240 : i32
    %dma_start3A_105 = arith.constant 0 : i32
    %dma_start3A_106 = tpu.memref_slice %arg4[%dma_start3A_104, %dma_start3A_105] : memref<504x256xf32, #tpu.memory_space<vmem>> -> memref<256x256xf32, #tpu.memory_space<vmem>>
    %dma_start3A_107 = arith.constant 0 : i32
    %dma_start3A_108 = tpu.memref_slice %arg3[%add3A_103, %mul3A_72, %dma_start3A_107] : memref<512x512x256xf32, #tpu.memory_space<hbm>> -> memref<1x256x256xf32, #tpu.memory_space<hbm>>
    %dma_start3A_109 = tpu.memref_squeeze %dma_start3A_108 : memref<1x256x256xf32, #tpu.memory_space<hbm>> -> memref<256x256xf32, #tpu.memory_space<hbm>>
    %dma_start3A_110 = arith.constant 0 : i32
    %dma_start3A_111 = tpu.memref_slice %arg3[%add3A_103, %mul3A_72, %dma_start3A_110] : memref<512x512x256xf32, #tpu.memory_space<hbm>> -> memref<1x256x256xf32, #tpu.memory_space<hbm>>
    %dma_start3A_112 = tpu.memref_squeeze %dma_start3A_111 : memref<1x256x256xf32, #tpu.memory_space<hbm>> -> memref<256x256xf32, #tpu.memory_space<hbm>>
    %dma_start3A_113 = arith.constant 240 : i32
    %dma_start3A_114 = arith.constant 0 : i32
    %dma_start3A_115 = tpu.memref_slice %arg4[%dma_start3A_113, %dma_start3A_114] : memref<504x256xf32, #tpu.memory_space<vmem>> -> memref<256x256xf32, #tpu.memory_space<vmem>>
    tpu.enqueue_dma source(%dma_start3A_115 : memref<256x256xf32, #tpu.memory_space<vmem>>) target(%dma_start3A_112 : memref<256x256xf32, #tpu.memory_space<hbm>>) target_semaphore(%arg5 : memref<!tpu.dma_semaphore, #tpu.memory_space<semaphore_mem>>)
    %add3A_116 = arith.constant 16 : i32
    %add3A_117 = arith.addi %add3A_77, %add3A_116 : i32
    %dma_start3A_118 = arith.constant 232 : i32
    %dma_start3A_119 = arith.constant 0 : i32
    %dma_start3A_120 = tpu.memref_slice %arg4[%dma_start3A_118, %dma_start3A_119] : memref<504x256xf32, #tpu.memory_space<vmem>> -> memref<256x256xf32, #tpu.memory_space<vmem>>
    %dma_start3A_121 = arith.constant 0 : i32
    %dma_start3A_122 = tpu.memref_slice %arg3[%add3A_117, %mul3A_72, %dma_start3A_121] : memref<512x512x256xf32, #tpu.memory_space<hbm>> -> memref<1x256x256xf32, #tpu.memory_space<hbm>>
    %dma_start3A_123 = tpu.memref_squeeze %dma_start3A_122 : memref<1x256x256xf32, #tpu.memory_space<hbm>> -> memref<256x256xf32, #tpu.memory_space<hbm>>
    %dma_start3A_124 = arith.constant 0 : i32
    %dma_start3A_125 = tpu.memref_slice %arg3[%add3A_117, %mul3A_72, %dma_start3A_124] : memref<512x512x256xf32, #tpu.memory_space<hbm>> -> memref<1x256x256xf32, #tpu.memory_space<hbm>>
    %dma_start3A_126 = tpu.memref_squeeze %dma_start3A_125 : memref<1x256x256xf32, #tpu.memory_space<hbm>> -> memref<256x256xf32, #tpu.memory_space<hbm>>
    %dma_start3A_127 = arith.constant 232 : i32
    %dma_start3A_128 = arith.constant 0 : i32
    %dma_start3A_129 = tpu.memref_slice %arg4[%dma_start3A_127, %dma_start3A_128] : memref<504x256xf32, #tpu.memory_space<vmem>> -> memref<256x256xf32, #tpu.memory_space<vmem>>
    tpu.enqueue_dma source(%dma_start3A_129 : memref<256x256xf32, #tpu.memory_space<vmem>>) target(%dma_start3A_126 : memref<256x256xf32, #tpu.memory_space<hbm>>) target_semaphore(%arg5 : memref<!tpu.dma_semaphore, #tpu.memory_space<semaphore_mem>>)
    %add3A_130 = arith.constant 24 : i32
    %add3A_131 = arith.addi %add3A_77, %add3A_130 : i32
    %dma_start3A_132 = arith.constant 224 : i32
    %dma_start3A_133 = arith.constant 0 : i32
    %dma_start3A_134 = tpu.memref_slice %arg4[%dma_start3A_132, %dma_start3A_133] : memref<504x256xf32, #tpu.memory_space<vmem>> -> memref<256x256xf32, #tpu.memory_space<vmem>>
    %dma_start3A_135 = arith.constant 0 : i32
    %dma_start3A_136 = tpu.memref_slice %arg3[%add3A_131, %mul3A_72, %dma_start3A_135] : memref<512x512x256xf32, #tpu.memory_space<hbm>> -> memref<1x256x256xf32, #tpu.memory_space<hbm>>
    %dma_start3A_137 = tpu.memref_squeeze %dma_start3A_136 : memref<1x256x256xf32, #tpu.memory_space<hbm>> -> memref<256x256xf32, #tpu.memory_space<hbm>>
    %dma_start3A_138 = arith.constant 0 : i32
    %dma_start3A_139 = tpu.memref_slice %arg3[%add3A_131, %mul3A_72, %dma_start3A_138] : memref<512x512x256xf32, #tpu.memory_space<hbm>> -> memref<1x256x256xf32, #tpu.memory_space<hbm>>
    %dma_start3A_140 = tpu.memref_squeeze %dma_start3A_139 : memref<1x256x256xf32, #tpu.memory_space<hbm>> -> memref<256x256xf32, #tpu.memory_space<hbm>>
    %dma_start3A_141 = arith.constant 224 : i32
    %dma_start3A_142 = arith.constant 0 : i32
    %dma_start3A_143 = tpu.memref_slice %arg4[%dma_start3A_141, %dma_start3A_142] : memref<504x256xf32, #tpu.memory_space<vmem>> -> memref<256x256xf32, #tpu.memory_space<vmem>>
    tpu.enqueue_dma source(%dma_start3A_143 : memref<256x256xf32, #tpu.memory_space<vmem>>) target(%dma_start3A_140 : memref<256x256xf32, #tpu.memory_space<hbm>>) target_semaphore(%arg5 : memref<!tpu.dma_semaphore, #tpu.memory_space<semaphore_mem>>)
    %add3A_144 = arith.constant 32 : i32
    %add3A_145 = arith.addi %add3A_77, %add3A_144 : i32
    %dma_start3A_146 = arith.constant 216 : i32
    %dma_start3A_147 = arith.constant 0 : i32
    %dma_start3A_148 = tpu.memref_slice %arg4[%dma_start3A_146, %dma_start3A_147] : memref<504x256xf32, #tpu.memory_space<vmem>> -> memref<256x256xf32, #tpu.memory_space<vmem>>
    %dma_start3A_149 = arith.constant 0 : i32
    %dma_start3A_150 = tpu.memref_slice %arg3[%add3A_145, %mul3A_72, %dma_start3A_149] : memref<512x512x256xf32, #tpu.memory_space<hbm>> -> memref<1x256x256xf32, #tpu.memory_space<hbm>>
    %dma_start3A_151 = tpu.memref_squeeze %dma_start3A_150 : memref<1x256x256xf32, #tpu.memory_space<hbm>> -> memref<256x256xf32, #tpu.memory_space<hbm>>
    %dma_start3A_152 = arith.constant 0 : i32
    %dma_start3A_153 = tpu.memref_slice %arg3[%add3A_145, %mul3A_72, %dma_start3A_152] : memref<512x512x256xf32, #tpu.memory_space<hbm>> -> memref<1x256x256xf32, #tpu.memory_space<hbm>>
    %dma_start3A_154 = tpu.memref_squeeze %dma_start3A_153 : memref<1x256x256xf32, #tpu.memory_space<hbm>> -> memref<256x256xf32, #tpu.memory_space<hbm>>
    %dma_start3A_155 = arith.constant 216 : i32
    %dma_start3A_156 = arith.constant 0 : i32
    %dma_start3A_157 = tpu.memref_slice %arg4[%dma_start3A_155, %dma_start3A_156] : memref<504x256xf32, #tpu.memory_space<vmem>> -> memref<256x256xf32, #tpu.memory_space<vmem>>
    tpu.enqueue_dma source(%dma_start3A_157 : memref<256x256xf32, #tpu.memory_space<vmem>>) target(%dma_start3A_154 : memref<256x256xf32, #tpu.memory_space<hbm>>) target_semaphore(%arg5 : memref<!tpu.dma_semaphore, #tpu.memory_space<semaphore_mem>>)
    %add3A_158 = arith.constant 40 : i32
    %add3A_159 = arith.addi %add3A_77, %add3A_158 : i32
    %dma_start3A_160 = arith.constant 208 : i32
    %dma_start3A_161 = arith.constant 0 : i32
    %dma_start3A_162 = tpu.memref_slice %arg4[%dma_start3A_160, %dma_start3A_161] : memref<504x256xf32, #tpu.memory_space<vmem>> -> memref<256x256xf32, #tpu.memory_space<vmem>>
    %dma_start3A_163 = arith.constant 0 : i32
    %dma_start3A_164 = tpu.memref_slice %arg3[%add3A_159, %mul3A_72, %dma_start3A_163] : memref<512x512x256xf32, #tpu.memory_space<hbm>> -> memref<1x256x256xf32, #tpu.memory_space<hbm>>
    %dma_start3A_165 = tpu.memref_squeeze %dma_start3A_164 : memref<1x256x256xf32, #tpu.memory_space<hbm>> -> memref<256x256xf32, #tpu.memory_space<hbm>>
    %dma_start3A_166 = arith.constant 0 : i32
    %dma_start3A_167 = tpu.memref_slice %arg3[%add3A_159, %mul3A_72, %dma_start3A_166] : memref<512x512x256xf32, #tpu.memory_space<hbm>> -> memref<1x256x256xf32, #tpu.memory_space<hbm>>
    %dma_start3A_168 = tpu.memref_squeeze %dma_start3A_167 : memref<1x256x256xf32, #tpu.memory_space<hbm>> -> memref<256x256xf32, #tpu.memory_space<hbm>>
    %dma_start3A_169 = arith.constant 208 : i32
    %dma_start3A_170 = arith.constant 0 : i32
    %dma_start3A_171 = tpu.memref_slice %arg4[%dma_start3A_169, %dma_start3A_170] : memref<504x256xf32, #tpu.memory_space<vmem>> -> memref<256x256xf32, #tpu.memory_space<vmem>>
    tpu.enqueue_dma source(%dma_start3A_171 : memref<256x256xf32, #tpu.memory_space<vmem>>) target(%dma_start3A_168 : memref<256x256xf32, #tpu.memory_space<hbm>>) target_semaphore(%arg5 : memref<!tpu.dma_semaphore, #tpu.memory_space<semaphore_mem>>)
    %add3A_172 = arith.constant 48 : i32
    %add3A_173 = arith.addi %add3A_77, %add3A_172 : i32
    %dma_start3A_174 = arith.constant 200 : i32
    %dma_start3A_175 = arith.constant 0 : i32
    %dma_start3A_176 = tpu.memref_slice %arg4[%dma_start3A_174, %dma_start3A_175] : memref<504x256xf32, #tpu.memory_space<vmem>> -> memref<256x256xf32, #tpu.memory_space<vmem>>
    %dma_start3A_177 = arith.constant 0 : i32
    %dma_start3A_178 = tpu.memref_slice %arg3[%add3A_173, %mul3A_72, %dma_start3A_177] : memref<512x512x256xf32, #tpu.memory_space<hbm>> -> memref<1x256x256xf32, #tpu.memory_space<hbm>>
    %dma_start3A_179 = tpu.memref_squeeze %dma_start3A_178 : memref<1x256x256xf32, #tpu.memory_space<hbm>> -> memref<256x256xf32, #tpu.memory_space<hbm>>
    %dma_start3A_180 = arith.constant 0 : i32
    %dma_start3A_181 = tpu.memref_slice %arg3[%add3A_173, %mul3A_72, %dma_start3A_180] : memref<512x512x256xf32, #tpu.memory_space<hbm>> -> memref<1x256x256xf32, #tpu.memory_space<hbm>>
    %dma_start3A_182 = tpu.memref_squeeze %dma_start3A_181 : memref<1x256x256xf32, #tpu.memory_space<hbm>> -> memref<256x256xf32, #tpu.memory_space<hbm>>
    %dma_start3A_183 = arith.constant 200 : i32
    %dma_start3A_184 = arith.constant 0 : i32
    %dma_start3A_185 = tpu.memref_slice %arg4[%dma_start3A_183, %dma_start3A_184] : memref<504x256xf32, #tpu.memory_space<vmem>> -> memref<256x256xf32, #tpu.memory_space<vmem>>
    tpu.enqueue_dma source(%dma_start3A_185 : memref<256x256xf32, #tpu.memory_space<vmem>>) target(%dma_start3A_182 : memref<256x256xf32, #tpu.memory_space<hbm>>) target_semaphore(%arg5 : memref<!tpu.dma_semaphore, #tpu.memory_space<semaphore_mem>>)
    %add3A_186 = arith.constant 56 : i32
    %add3A_187 = arith.addi %add3A_77, %add3A_186 : i32
    %dma_start3A_188 = arith.constant 192 : i32
    %dma_start3A_189 = arith.constant 0 : i32
    %dma_start3A_190 = tpu.memref_slice %arg4[%dma_start3A_188, %dma_start3A_189] : memref<504x256xf32, #tpu.memory_space<vmem>> -> memref<256x256xf32, #tpu.memory_space<vmem>>
    %dma_start3A_191 = arith.constant 0 : i32
    %dma_start3A_192 = tpu.memref_slice %arg3[%add3A_187, %mul3A_72, %dma_start3A_191] : memref<512x512x256xf32, #tpu.memory_space<hbm>> -> memref<1x256x256xf32, #tpu.memory_space<hbm>>
    %dma_start3A_193 = tpu.memref_squeeze %dma_start3A_192 : memref<1x256x256xf32, #tpu.memory_space<hbm>> -> memref<256x256xf32, #tpu.memory_space<hbm>>
    %dma_start3A_194 = arith.constant 0 : i32
    %dma_start3A_195 = tpu.memref_slice %arg3[%add3A_187, %mul3A_72, %dma_start3A_194] : memref<512x512x256xf32, #tpu.memory_space<hbm>> -> memref<1x256x256xf32, #tpu.memory_space<hbm>>
    %dma_start3A_196 = tpu.memref_squeeze %dma_start3A_195 : memref<1x256x256xf32, #tpu.memory_space<hbm>> -> memref<256x256xf32, #tpu.memory_space<hbm>>
    %dma_start3A_197 = arith.constant 192 : i32
    %dma_start3A_198 = arith.constant 0 : i32
    %dma_start3A_199 = tpu.memref_slice %arg4[%dma_start3A_197, %dma_start3A_198] : memref<504x256xf32, #tpu.memory_space<vmem>> -> memref<256x256xf32, #tpu.memory_space<vmem>>
    tpu.enqueue_dma source(%dma_start3A_199 : memref<256x256xf32, #tpu.memory_space<vmem>>) target(%dma_start3A_196 : memref<256x256xf32, #tpu.memory_space<hbm>>) target_semaphore(%arg5 : memref<!tpu.dma_semaphore, #tpu.memory_space<semaphore_mem>>)
    %add3A_200 = arith.constant 64 : i32
    %add3A_201 = arith.addi %add3A_77, %add3A_200 : i32
    %dma_start3A_202 = arith.constant 184 : i32
    %dma_start3A_203 = arith.constant 0 : i32
    %dma_start3A_204 = tpu.memref_slice %arg4[%dma_start3A_202, %dma_start3A_203] : memref<504x256xf32, #tpu.memory_space<vmem>> -> memref<256x256xf32, #tpu.memory_space<vmem>>
    %dma_start3A_205 = arith.constant 0 : i32
    %dma_start3A_206 = tpu.memref_slice %arg3[%add3A_201, %mul3A_72, %dma_start3A_205] : memref<512x512x256xf32, #tpu.memory_space<hbm>> -> memref<1x256x256xf32, #tpu.memory_space<hbm>>
    %dma_start3A_207 = tpu.memref_squeeze %dma_start3A_206 : memref<1x256x256xf32, #tpu.memory_space<hbm>> -> memref<256x256xf32, #tpu.memory_space<hbm>>
    %dma_start3A_208 = arith.constant 0 : i32
    %dma_start3A_209 = tpu.memref_slice %arg3[%add3A_201, %mul3A_72, %dma_start3A_208] : memref<512x512x256xf32, #tpu.memory_space<hbm>> -> memref<1x256x256xf32, #tpu.memory_space<hbm>>
    %dma_start3A_210 = tpu.memref_squeeze %dma_start3A_209 : memref<1x256x256xf32, #tpu.memory_space<hbm>> -> memref<256x256xf32, #tpu.memory_space<hbm>>
    %dma_start3A_211 = arith.constant 184 : i32
    %dma_start3A_212 = arith.constant 0 : i32
    %dma_start3A_213 = tpu.memref_slice %arg4[%dma_start3A_211, %dma_start3A_212] : memref<504x256xf32, #tpu.memory_space<vmem>> -> memref<256x256xf32, #tpu.memory_space<vmem>>
    tpu.enqueue_dma source(%dma_start3A_213 : memref<256x256xf32, #tpu.memory_space<vmem>>) target(%dma_start3A_210 : memref<256x256xf32, #tpu.memory_space<hbm>>) target_semaphore(%arg5 : memref<!tpu.dma_semaphore, #tpu.memory_space<semaphore_mem>>)
    %add3A_214 = arith.constant 72 : i32
    %add3A_215 = arith.addi %add3A_77, %add3A_214 : i32
    %dma_start3A_216 = arith.constant 176 : i32
    %dma_start3A_217 = arith.constant 0 : i32
    %dma_start3A_218 = tpu.memref_slice %arg4[%dma_start3A_216, %dma_start3A_217] : memref<504x256xf32, #tpu.memory_space<vmem>> -> memref<256x256xf32, #tpu.memory_space<vmem>>
    %dma_start3A_219 = arith.constant 0 : i32
    %dma_start3A_220 = tpu.memref_slice %arg3[%add3A_215, %mul3A_72, %dma_start3A_219] : memref<512x512x256xf32, #tpu.memory_space<hbm>> -> memref<1x256x256xf32, #tpu.memory_space<hbm>>
    %dma_start3A_221 = tpu.memref_squeeze %dma_start3A_220 : memref<1x256x256xf32, #tpu.memory_space<hbm>> -> memref<256x256xf32, #tpu.memory_space<hbm>>
    %dma_start3A_222 = arith.constant 0 : i32
    %dma_start3A_223 = tpu.memref_slice %arg3[%add3A_215, %mul3A_72, %dma_start3A_222] : memref<512x512x256xf32, #tpu.memory_space<hbm>> -> memref<1x256x256xf32, #tpu.memory_space<hbm>>
    %dma_start3A_224 = tpu.memref_squeeze %dma_start3A_223 : memref<1x256x256xf32, #tpu.memory_space<hbm>> -> memref<256x256xf32, #tpu.memory_space<hbm>>
    %dma_start3A_225 = arith.constant 176 : i32
    %dma_start3A_226 = arith.constant 0 : i32
    %dma_start3A_227 = tpu.memref_slice %arg4[%dma_start3A_225, %dma_start3A_226] : memref<504x256xf32, #tpu.memory_space<vmem>> -> memref<256x256xf32, #tpu.memory_space<vmem>>
    tpu.enqueue_dma source(%dma_start3A_227 : memref<256x256xf32, #tpu.memory_space<vmem>>) target(%dma_start3A_224 : memref<256x256xf32, #tpu.memory_space<hbm>>) target_semaphore(%arg5 : memref<!tpu.dma_semaphore, #tpu.memory_space<semaphore_mem>>)
    %add3A_228 = arith.constant 80 : i32
    %add3A_229 = arith.addi %add3A_77, %add3A_228 : i32
    %dma_start3A_230 = arith.constant 168 : i32
    %dma_start3A_231 = arith.constant 0 : i32
    %dma_start3A_232 = tpu.memref_slice %arg4[%dma_start3A_230, %dma_start3A_231] : memref<504x256xf32, #tpu.memory_space<vmem>> -> memref<256x256xf32, #tpu.memory_space<vmem>>
    %dma_start3A_233 = arith.constant 0 : i32
    %dma_start3A_234 = tpu.memref_slice %arg3[%add3A_229, %mul3A_72, %dma_start3A_233] : memref<512x512x256xf32, #tpu.memory_space<hbm>> -> memref<1x256x256xf32, #tpu.memory_space<hbm>>
    %dma_start3A_235 = tpu.memref_squeeze %dma_start3A_234 : memref<1x256x256xf32, #tpu.memory_space<hbm>> -> memref<256x256xf32, #tpu.memory_space<hbm>>
    %dma_start3A_236 = arith.constant 0 : i32
    %dma_start3A_237 = tpu.memref_slice %arg3[%add3A_229, %mul3A_72, %dma_start3A_236] : memref<512x512x256xf32, #tpu.memory_space<hbm>> -> memref<1x256x256xf32, #tpu.memory_space<hbm>>
    %dma_start3A_238 = tpu.memref_squeeze %dma_start3A_237 : memref<1x256x256xf32, #tpu.memory_space<hbm>> -> memref<256x256xf32, #tpu.memory_space<hbm>>
    %dma_start3A_239 = arith.constant 168 : i32
    %dma_start3A_240 = arith.constant 0 : i32
    %dma_start3A_241 = tpu.memref_slice %arg4[%dma_start3A_239, %dma_start3A_240] : memref<504x256xf32, #tpu.memory_space<vmem>> -> memref<256x256xf32, #tpu.memory_space<vmem>>
    tpu.enqueue_dma source(%dma_start3A_241 : memref<256x256xf32, #tpu.memory_space<vmem>>) target(%dma_start3A_238 : memref<256x256xf32, #tpu.memory_space<hbm>>) target_semaphore(%arg5 : memref<!tpu.dma_semaphore, #tpu.memory_space<semaphore_mem>>)
    %add3A_242 = arith.constant 88 : i32
    %add3A_243 = arith.addi %add3A_77, %add3A_242 : i32
    %dma_start3A_244 = arith.constant 160 : i32
    %dma_start3A_245 = arith.constant 0 : i32
    %dma_start3A_246 = tpu.memref_slice %arg4[%dma_start3A_244, %dma_start3A_245] : memref<504x256xf32, #tpu.memory_space<vmem>> -> memref<256x256xf32, #tpu.memory_space<vmem>>
    %dma_start3A_247 = arith.constant 0 : i32
    %dma_start3A_248 = tpu.memref_slice %arg3[%add3A_243, %mul3A_72, %dma_start3A_247] : memref<512x512x256xf32, #tpu.memory_space<hbm>> -> memref<1x256x256xf32, #tpu.memory_space<hbm>>
    %dma_start3A_249 = tpu.memref_squeeze %dma_start3A_248 : memref<1x256x256xf32, #tpu.memory_space<hbm>> -> memref<256x256xf32, #tpu.memory_space<hbm>>
    %dma_start3A_250 = arith.constant 0 : i32
    %dma_start3A_251 = tpu.memref_slice %arg3[%add3A_243, %mul3A_72, %dma_start3A_250] : memref<512x512x256xf32, #tpu.memory_space<hbm>> -> memref<1x256x256xf32, #tpu.memory_space<hbm>>
    %dma_start3A_252 = tpu.memref_squeeze %dma_start3A_251 : memref<1x256x256xf32, #tpu.memory_space<hbm>> -> memref<256x256xf32, #tpu.memory_space<hbm>>
    %dma_start3A_253 = arith.constant 160 : i32
    %dma_start3A_254 = arith.constant 0 : i32
    %dma_start3A_255 = tpu.memref_slice %arg4[%dma_start3A_253, %dma_start3A_254] : memref<504x256xf32, #tpu.memory_space<vmem>> -> memref<256x256xf32, #tpu.memory_space<vmem>>
    tpu.enqueue_dma source(%dma_start3A_255 : memref<256x256xf32, #tpu.memory_space<vmem>>) target(%dma_start3A_252 : memref<256x256xf32, #tpu.memory_space<hbm>>) target_semaphore(%arg5 : memref<!tpu.dma_semaphore, #tpu.memory_space<semaphore_mem>>)
    %add3A_256 = arith.constant 96 : i32
    %add3A_257 = arith.addi %add3A_77, %add3A_256 : i32
    %dma_start3A_258 = arith.constant 152 : i32
    %dma_start3A_259 = arith.constant 0 : i32
    %dma_start3A_260 = tpu.memref_slice %arg4[%dma_start3A_258, %dma_start3A_259] : memref<504x256xf32, #tpu.memory_space<vmem>> -> memref<256x256xf32, #tpu.memory_space<vmem>>
    %dma_start3A_261 = arith.constant 0 : i32
    %dma_start3A_262 = tpu.memref_slice %arg3[%add3A_257, %mul3A_72, %dma_start3A_261] : memref<512x512x256xf32, #tpu.memory_space<hbm>> -> memref<1x256x256xf32, #tpu.memory_space<hbm>>
    %dma_start3A_263 = tpu.memref_squeeze %dma_start3A_262 : memref<1x256x256xf32, #tpu.memory_space<hbm>> -> memref<256x256xf32, #tpu.memory_space<hbm>>
    %dma_start3A_264 = arith.constant 0 : i32
    %dma_start3A_265 = tpu.memref_slice %arg3[%add3A_257, %mul3A_72, %dma_start3A_264] : memref<512x512x256xf32, #tpu.memory_space<hbm>> -> memref<1x256x256xf32, #tpu.memory_space<hbm>>
    %dma_start3A_266 = tpu.memref_squeeze %dma_start3A_265 : memref<1x256x256xf32, #tpu.memory_space<hbm>> -> memref<256x256xf32, #tpu.memory_space<hbm>>
    %dma_start3A_267 = arith.constant 152 : i32
    %dma_start3A_268 = arith.constant 0 : i32
    %dma_start3A_269 = tpu.memref_slice %arg4[%dma_start3A_267, %dma_start3A_268] : memref<504x256xf32, #tpu.memory_space<vmem>> -> memref<256x256xf32, #tpu.memory_space<vmem>>
    tpu.enqueue_dma source(%dma_start3A_269 : memref<256x256xf32, #tpu.memory_space<vmem>>) target(%dma_start3A_266 : memref<256x256xf32, #tpu.memory_space<hbm>>) target_semaphore(%arg5 : memref<!tpu.dma_semaphore, #tpu.memory_space<semaphore_mem>>)
    %add3A_270 = arith.constant 104 : i32
    %add3A_271 = arith.addi %add3A_77, %add3A_270 : i32
    %dma_start3A_272 = arith.constant 144 : i32
    %dma_start3A_273 = arith.constant 0 : i32
    %dma_start3A_274 = tpu.memref_slice %arg4[%dma_start3A_272, %dma_start3A_273] : memref<504x256xf32, #tpu.memory_space<vmem>> -> memref<256x256xf32, #tpu.memory_space<vmem>>
    %dma_start3A_275 = arith.constant 0 : i32
    %dma_start3A_276 = tpu.memref_slice %arg3[%add3A_271, %mul3A_72, %dma_start3A_275] : memref<512x512x256xf32, #tpu.memory_space<hbm>> -> memref<1x256x256xf32, #tpu.memory_space<hbm>>
    %dma_start3A_277 = tpu.memref_squeeze %dma_start3A_276 : memref<1x256x256xf32, #tpu.memory_space<hbm>> -> memref<256x256xf32, #tpu.memory_space<hbm>>
    %dma_start3A_278 = arith.constant 0 : i32
    %dma_start3A_279 = tpu.memref_slice %arg3[%add3A_271, %mul3A_72, %dma_start3A_278] : memref<512x512x256xf32, #tpu.memory_space<hbm>> -> memref<1x256x256xf32, #tpu.memory_space<hbm>>
    %dma_start3A_280 = tpu.memref_squeeze %dma_start3A_279 : memref<1x256x256xf32, #tpu.memory_space<hbm>> -> memref<256x256xf32, #tpu.memory_space<hbm>>
    %dma_start3A_281 = arith.constant 144 : i32
    %dma_start3A_282 = arith.constant 0 : i32
    %dma_start3A_283 = tpu.memref_slice %arg4[%dma_start3A_281, %dma_start3A_282] : memref<504x256xf32, #tpu.memory_space<vmem>> -> memref<256x256xf32, #tpu.memory_space<vmem>>
    tpu.enqueue_dma source(%dma_start3A_283 : memref<256x256xf32, #tpu.memory_space<vmem>>) target(%dma_start3A_280 : memref<256x256xf32, #tpu.memory_space<hbm>>) target_semaphore(%arg5 : memref<!tpu.dma_semaphore, #tpu.memory_space<semaphore_mem>>)
    %add3A_284 = arith.constant 112 : i32
    %add3A_285 = arith.addi %add3A_77, %add3A_284 : i32
    %dma_start3A_286 = arith.constant 136 : i32
    %dma_start3A_287 = arith.constant 0 : i32
    %dma_start3A_288 = tpu.memref_slice %arg4[%dma_start3A_286, %dma_start3A_287] : memref<504x256xf32, #tpu.memory_space<vmem>> -> memref<256x256xf32, #tpu.memory_space<vmem>>
    %dma_start3A_289 = arith.constant 0 : i32
    %dma_start3A_290 = tpu.memref_slice %arg3[%add3A_285, %mul3A_72, %dma_start3A_289] : memref<512x512x256xf32, #tpu.memory_space<hbm>> -> memref<1x256x256xf32, #tpu.memory_space<hbm>>
    %dma_start3A_291 = tpu.memref_squeeze %dma_start3A_290 : memref<1x256x256xf32, #tpu.memory_space<hbm>> -> memref<256x256xf32, #tpu.memory_space<hbm>>
    %dma_start3A_292 = arith.constant 0 : i32
    %dma_start3A_293 = tpu.memref_slice %arg3[%add3A_285, %mul3A_72, %dma_start3A_292] : memref<512x512x256xf32, #tpu.memory_space<hbm>> -> memref<1x256x256xf32, #tpu.memory_space<hbm>>
    %dma_start3A_294 = tpu.memref_squeeze %dma_start3A_293 : memref<1x256x256xf32, #tpu.memory_space<hbm>> -> memref<256x256xf32, #tpu.memory_space<hbm>>
    %dma_start3A_295 = arith.constant 136 : i32
    %dma_start3A_296 = arith.constant 0 : i32
    %dma_start3A_297 = tpu.memref_slice %arg4[%dma_start3A_295, %dma_start3A_296] : memref<504x256xf32, #tpu.memory_space<vmem>> -> memref<256x256xf32, #tpu.memory_space<vmem>>
    tpu.enqueue_dma source(%dma_start3A_297 : memref<256x256xf32, #tpu.memory_space<vmem>>) target(%dma_start3A_294 : memref<256x256xf32, #tpu.memory_space<hbm>>) target_semaphore(%arg5 : memref<!tpu.dma_semaphore, #tpu.memory_space<semaphore_mem>>)
    %add3A_298 = arith.constant 120 : i32
    %add3A_299 = arith.addi %add3A_77, %add3A_298 : i32
    %dma_start3A_300 = arith.constant 128 : i32
    %dma_start3A_301 = arith.constant 0 : i32
    %dma_start3A_302 = tpu.memref_slice %arg4[%dma_start3A_300, %dma_start3A_301] : memref<504x256xf32, #tpu.memory_space<vmem>> -> memref<256x256xf32, #tpu.memory_space<vmem>>
    %dma_start3A_303 = arith.constant 0 : i32
    %dma_start3A_304 = tpu.memref_slice %arg3[%add3A_299, %mul3A_72, %dma_start3A_303] : memref<512x512x256xf32, #tpu.memory_space<hbm>> -> memref<1x256x256xf32, #tpu.memory_space<hbm>>
    %dma_start3A_305 = tpu.memref_squeeze %dma_start3A_304 : memref<1x256x256xf32, #tpu.memory_space<hbm>> -> memref<256x256xf32, #tpu.memory_space<hbm>>
    %dma_start3A_306 = arith.constant 0 : i32
    %dma_start3A_307 = tpu.memref_slice %arg3[%add3A_299, %mul3A_72, %dma_start3A_306] : memref<512x512x256xf32, #tpu.memory_space<hbm>> -> memref<1x256x256xf32, #tpu.memory_space<hbm>>
    %dma_start3A_308 = tpu.memref_squeeze %dma_start3A_307 : memref<1x256x256xf32, #tpu.memory_space<hbm>> -> memref<256x256xf32, #tpu.memory_space<hbm>>
    %dma_start3A_309 = arith.constant 128 : i32
    %dma_start3A_310 = arith.constant 0 : i32
    %dma_start3A_311 = tpu.memref_slice %arg4[%dma_start3A_309, %dma_start3A_310] : memref<504x256xf32, #tpu.memory_space<vmem>> -> memref<256x256xf32, #tpu.memory_space<vmem>>
    tpu.enqueue_dma source(%dma_start3A_311 : memref<256x256xf32, #tpu.memory_space<vmem>>) target(%dma_start3A_308 : memref<256x256xf32, #tpu.memory_space<hbm>>) target_semaphore(%arg5 : memref<!tpu.dma_semaphore, #tpu.memory_space<semaphore_mem>>)
    %add3A_312 = arith.constant 128 : i32
    %add3A_313 = arith.addi %add3A_77, %add3A_312 : i32
    %dma_start3A_314 = arith.constant 120 : i32
    %dma_start3A_315 = arith.constant 0 : i32
    %dma_start3A_316 = tpu.memref_slice %arg4[%dma_start3A_314, %dma_start3A_315] : memref<504x256xf32, #tpu.memory_space<vmem>> -> memref<256x256xf32, #tpu.memory_space<vmem>>
    %dma_start3A_317 = arith.constant 0 : i32
    %dma_start3A_318 = tpu.memref_slice %arg3[%add3A_313, %mul3A_72, %dma_start3A_317] : memref<512x512x256xf32, #tpu.memory_space<hbm>> -> memref<1x256x256xf32, #tpu.memory_space<hbm>>
    %dma_start3A_319 = tpu.memref_squeeze %dma_start3A_318 : memref<1x256x256xf32, #tpu.memory_space<hbm>> -> memref<256x256xf32, #tpu.memory_space<hbm>>
    %dma_start3A_320 = arith.constant 0 : i32
    %dma_start3A_321 = tpu.memref_slice %arg3[%add3A_313, %mul3A_72, %dma_start3A_320] : memref<512x512x256xf32, #tpu.memory_space<hbm>> -> memref<1x256x256xf32, #tpu.memory_space<hbm>>
    %dma_start3A_322 = tpu.memref_squeeze %dma_start3A_321 : memref<1x256x256xf32, #tpu.memory_space<hbm>> -> memref<256x256xf32, #tpu.memory_space<hbm>>
    %dma_start3A_323 = arith.constant 120 : i32
    %dma_start3A_324 = arith.constant 0 : i32
    %dma_start3A_325 = tpu.memref_slice %arg4[%dma_start3A_323, %dma_start3A_324] : memref<504x256xf32, #tpu.memory_space<vmem>> -> memref<256x256xf32, #tpu.memory_space<vmem>>
    tpu.enqueue_dma source(%dma_start3A_325 : memref<256x256xf32, #tpu.memory_space<vmem>>) target(%dma_start3A_322 : memref<256x256xf32, #tpu.memory_space<hbm>>) target_semaphore(%arg5 : memref<!tpu.dma_semaphore, #tpu.memory_space<semaphore_mem>>)
    %add3A_326 = arith.constant 136 : i32
    %add3A_327 = arith.addi %add3A_77, %add3A_326 : i32
    %dma_start3A_328 = arith.constant 112 : i32
    %dma_start3A_329 = arith.constant 0 : i32
    %dma_start3A_330 = tpu.memref_slice %arg4[%dma_start3A_328, %dma_start3A_329] : memref<504x256xf32, #tpu.memory_space<vmem>> -> memref<256x256xf32, #tpu.memory_space<vmem>>
    %dma_start3A_331 = arith.constant 0 : i32
    %dma_start3A_332 = tpu.memref_slice %arg3[%add3A_327, %mul3A_72, %dma_start3A_331] : memref<512x512x256xf32, #tpu.memory_space<hbm>> -> memref<1x256x256xf32, #tpu.memory_space<hbm>>
    %dma_start3A_333 = tpu.memref_squeeze %dma_start3A_332 : memref<1x256x256xf32, #tpu.memory_space<hbm>> -> memref<256x256xf32, #tpu.memory_space<hbm>>
    %dma_start3A_334 = arith.constant 0 : i32
    %dma_start3A_335 = tpu.memref_slice %arg3[%add3A_327, %mul3A_72, %dma_start3A_334] : memref<512x512x256xf32, #tpu.memory_space<hbm>> -> memref<1x256x256xf32, #tpu.memory_space<hbm>>
    %dma_start3A_336 = tpu.memref_squeeze %dma_start3A_335 : memref<1x256x256xf32, #tpu.memory_space<hbm>> -> memref<256x256xf32, #tpu.memory_space<hbm>>
    %dma_start3A_337 = arith.constant 112 : i32
    %dma_start3A_338 = arith.constant 0 : i32
    %dma_start3A_339 = tpu.memref_slice %arg4[%dma_start3A_337, %dma_start3A_338] : memref<504x256xf32, #tpu.memory_space<vmem>> -> memref<256x256xf32, #tpu.memory_space<vmem>>
    tpu.enqueue_dma source(%dma_start3A_339 : memref<256x256xf32, #tpu.memory_space<vmem>>) target(%dma_start3A_336 : memref<256x256xf32, #tpu.memory_space<hbm>>) target_semaphore(%arg5 : memref<!tpu.dma_semaphore, #tpu.memory_space<semaphore_mem>>)
    %add3A_340 = arith.constant 144 : i32
    %add3A_341 = arith.addi %add3A_77, %add3A_340 : i32
    %dma_start3A_342 = arith.constant 104 : i32
    %dma_start3A_343 = arith.constant 0 : i32
    %dma_start3A_344 = tpu.memref_slice %arg4[%dma_start3A_342, %dma_start3A_343] : memref<504x256xf32, #tpu.memory_space<vmem>> -> memref<256x256xf32, #tpu.memory_space<vmem>>
    %dma_start3A_345 = arith.constant 0 : i32
    %dma_start3A_346 = tpu.memref_slice %arg3[%add3A_341, %mul3A_72, %dma_start3A_345] : memref<512x512x256xf32, #tpu.memory_space<hbm>> -> memref<1x256x256xf32, #tpu.memory_space<hbm>>
    %dma_start3A_347 = tpu.memref_squeeze %dma_start3A_346 : memref<1x256x256xf32, #tpu.memory_space<hbm>> -> memref<256x256xf32, #tpu.memory_space<hbm>>
    %dma_start3A_348 = arith.constant 0 : i32
    %dma_start3A_349 = tpu.memref_slice %arg3[%add3A_341, %mul3A_72, %dma_start3A_348] : memref<512x512x256xf32, #tpu.memory_space<hbm>> -> memref<1x256x256xf32, #tpu.memory_space<hbm>>
    %dma_start3A_350 = tpu.memref_squeeze %dma_start3A_349 : memref<1x256x256xf32, #tpu.memory_space<hbm>> -> memref<256x256xf32, #tpu.memory_space<hbm>>
    %dma_start3A_351 = arith.constant 104 : i32
    %dma_start3A_352 = arith.constant 0 : i32
    %dma_start3A_353 = tpu.memref_slice %arg4[%dma_start3A_351, %dma_start3A_352] : memref<504x256xf32, #tpu.memory_space<vmem>> -> memref<256x256xf32, #tpu.memory_space<vmem>>
    tpu.enqueue_dma source(%dma_start3A_353 : memref<256x256xf32, #tpu.memory_space<vmem>>) target(%dma_start3A_350 : memref<256x256xf32, #tpu.memory_space<hbm>>) target_semaphore(%arg5 : memref<!tpu.dma_semaphore, #tpu.memory_space<semaphore_mem>>)
    %add3A_354 = arith.constant 152 : i32
    %add3A_355 = arith.addi %add3A_77, %add3A_354 : i32
    %dma_start3A_356 = arith.constant 96 : i32
    %dma_start3A_357 = arith.constant 0 : i32
    %dma_start3A_358 = tpu.memref_slice %arg4[%dma_start3A_356, %dma_start3A_357] : memref<504x256xf32, #tpu.memory_space<vmem>> -> memref<256x256xf32, #tpu.memory_space<vmem>>
    %dma_start3A_359 = arith.constant 0 : i32
    %dma_start3A_360 = tpu.memref_slice %arg3[%add3A_355, %mul3A_72, %dma_start3A_359] : memref<512x512x256xf32, #tpu.memory_space<hbm>> -> memref<1x256x256xf32, #tpu.memory_space<hbm>>
    %dma_start3A_361 = tpu.memref_squeeze %dma_start3A_360 : memref<1x256x256xf32, #tpu.memory_space<hbm>> -> memref<256x256xf32, #tpu.memory_space<hbm>>
    %dma_start3A_362 = arith.constant 0 : i32
    %dma_start3A_363 = tpu.memref_slice %arg3[%add3A_355, %mul3A_72, %dma_start3A_362] : memref<512x512x256xf32, #tpu.memory_space<hbm>> -> memref<1x256x256xf32, #tpu.memory_space<hbm>>
    %dma_start3A_364 = tpu.memref_squeeze %dma_start3A_363 : memref<1x256x256xf32, #tpu.memory_space<hbm>> -> memref<256x256xf32, #tpu.memory_space<hbm>>
    %dma_start3A_365 = arith.constant 96 : i32
    %dma_start3A_366 = arith.constant 0 : i32
    %dma_start3A_367 = tpu.memref_slice %arg4[%dma_start3A_365, %dma_start3A_366] : memref<504x256xf32, #tpu.memory_space<vmem>> -> memref<256x256xf32, #tpu.memory_space<vmem>>
    tpu.enqueue_dma source(%dma_start3A_367 : memref<256x256xf32, #tpu.memory_space<vmem>>) target(%dma_start3A_364 : memref<256x256xf32, #tpu.memory_space<hbm>>) target_semaphore(%arg5 : memref<!tpu.dma_semaphore, #tpu.memory_space<semaphore_mem>>)
    %add3A_368 = arith.constant 160 : i32
    %add3A_369 = arith.addi %add3A_77, %add3A_368 : i32
    %dma_start3A_370 = arith.constant 88 : i32
    %dma_start3A_371 = arith.constant 0 : i32
    %dma_start3A_372 = tpu.memref_slice %arg4[%dma_start3A_370, %dma_start3A_371] : memref<504x256xf32, #tpu.memory_space<vmem>> -> memref<256x256xf32, #tpu.memory_space<vmem>>
    %dma_start3A_373 = arith.constant 0 : i32
    %dma_start3A_374 = tpu.memref_slice %arg3[%add3A_369, %mul3A_72, %dma_start3A_373] : memref<512x512x256xf32, #tpu.memory_space<hbm>> -> memref<1x256x256xf32, #tpu.memory_space<hbm>>
    %dma_start3A_375 = tpu.memref_squeeze %dma_start3A_374 : memref<1x256x256xf32, #tpu.memory_space<hbm>> -> memref<256x256xf32, #tpu.memory_space<hbm>>
    %dma_start3A_376 = arith.constant 0 : i32
    %dma_start3A_377 = tpu.memref_slice %arg3[%add3A_369, %mul3A_72, %dma_start3A_376] : memref<512x512x256xf32, #tpu.memory_space<hbm>> -> memref<1x256x256xf32, #tpu.memory_space<hbm>>
    %dma_start3A_378 = tpu.memref_squeeze %dma_start3A_377 : memref<1x256x256xf32, #tpu.memory_space<hbm>> -> memref<256x256xf32, #tpu.memory_space<hbm>>
    %dma_start3A_379 = arith.constant 88 : i32
    %dma_start3A_380 = arith.constant 0 : i32
    %dma_start3A_381 = tpu.memref_slice %arg4[%dma_start3A_379, %dma_start3A_380] : memref<504x256xf32, #tpu.memory_space<vmem>> -> memref<256x256xf32, #tpu.memory_space<vmem>>
    tpu.enqueue_dma source(%dma_start3A_381 : memref<256x256xf32, #tpu.memory_space<vmem>>) target(%dma_start3A_378 : memref<256x256xf32, #tpu.memory_space<hbm>>) target_semaphore(%arg5 : memref<!tpu.dma_semaphore, #tpu.memory_space<semaphore_mem>>)
    %add3A_382 = arith.constant 168 : i32
    %add3A_383 = arith.addi %add3A_77, %add3A_382 : i32
    %dma_start3A_384 = arith.constant 80 : i32
    %dma_start3A_385 = arith.constant 0 : i32
    %dma_start3A_386 = tpu.memref_slice %arg4[%dma_start3A_384, %dma_start3A_385] : memref<504x256xf32, #tpu.memory_space<vmem>> -> memref<256x256xf32, #tpu.memory_space<vmem>>
    %dma_start3A_387 = arith.constant 0 : i32
    %dma_start3A_388 = tpu.memref_slice %arg3[%add3A_383, %mul3A_72, %dma_start3A_387] : memref<512x512x256xf32, #tpu.memory_space<hbm>> -> memref<1x256x256xf32, #tpu.memory_space<hbm>>
    %dma_start3A_389 = tpu.memref_squeeze %dma_start3A_388 : memref<1x256x256xf32, #tpu.memory_space<hbm>> -> memref<256x256xf32, #tpu.memory_space<hbm>>
    %dma_start3A_390 = arith.constant 0 : i32
    %dma_start3A_391 = tpu.memref_slice %arg3[%add3A_383, %mul3A_72, %dma_start3A_390] : memref<512x512x256xf32, #tpu.memory_space<hbm>> -> memref<1x256x256xf32, #tpu.memory_space<hbm>>
    %dma_start3A_392 = tpu.memref_squeeze %dma_start3A_391 : memref<1x256x256xf32, #tpu.memory_space<hbm>> -> memref<256x256xf32, #tpu.memory_space<hbm>>
    %dma_start3A_393 = arith.constant 80 : i32
    %dma_start3A_394 = arith.constant 0 : i32
    %dma_start3A_395 = tpu.memref_slice %arg4[%dma_start3A_393, %dma_start3A_394] : memref<504x256xf32, #tpu.memory_space<vmem>> -> memref<256x256xf32, #tpu.memory_space<vmem>>
    tpu.enqueue_dma source(%dma_start3A_395 : memref<256x256xf32, #tpu.memory_space<vmem>>) target(%dma_start3A_392 : memref<256x256xf32, #tpu.memory_space<hbm>>) target_semaphore(%arg5 : memref<!tpu.dma_semaphore, #tpu.memory_space<semaphore_mem>>)
    %add3A_396 = arith.constant 176 : i32
    %add3A_397 = arith.addi %add3A_77, %add3A_396 : i32
    %dma_start3A_398 = arith.constant 72 : i32
    %dma_start3A_399 = arith.constant 0 : i32
    %dma_start3A_400 = tpu.memref_slice %arg4[%dma_start3A_398, %dma_start3A_399] : memref<504x256xf32, #tpu.memory_space<vmem>> -> memref<256x256xf32, #tpu.memory_space<vmem>>
    %dma_start3A_401 = arith.constant 0 : i32
    %dma_start3A_402 = tpu.memref_slice %arg3[%add3A_397, %mul3A_72, %dma_start3A_401] : memref<512x512x256xf32, #tpu.memory_space<hbm>> -> memref<1x256x256xf32, #tpu.memory_space<hbm>>
    %dma_start3A_403 = tpu.memref_squeeze %dma_start3A_402 : memref<1x256x256xf32, #tpu.memory_space<hbm>> -> memref<256x256xf32, #tpu.memory_space<hbm>>
    %dma_start3A_404 = arith.constant 0 : i32
    %dma_start3A_405 = tpu.memref_slice %arg3[%add3A_397, %mul3A_72, %dma_start3A_404] : memref<512x512x256xf32, #tpu.memory_space<hbm>> -> memref<1x256x256xf32, #tpu.memory_space<hbm>>
    %dma_start3A_406 = tpu.memref_squeeze %dma_start3A_405 : memref<1x256x256xf32, #tpu.memory_space<hbm>> -> memref<256x256xf32, #tpu.memory_space<hbm>>
    %dma_start3A_407 = arith.constant 72 : i32
    %dma_start3A_408 = arith.constant 0 : i32
    %dma_start3A_409 = tpu.memref_slice %arg4[%dma_start3A_407, %dma_start3A_408] : memref<504x256xf32, #tpu.memory_space<vmem>> -> memref<256x256xf32, #tpu.memory_space<vmem>>
    tpu.enqueue_dma source(%dma_start3A_409 : memref<256x256xf32, #tpu.memory_space<vmem>>) target(%dma_start3A_406 : memref<256x256xf32, #tpu.memory_space<hbm>>) target_semaphore(%arg5 : memref<!tpu.dma_semaphore, #tpu.memory_space<semaphore_mem>>)
    %add3A_410 = arith.constant 184 : i32
    %add3A_411 = arith.addi %add3A_77, %add3A_410 : i32
    %dma_start3A_412 = arith.constant 64 : i32
    %dma_start3A_413 = arith.constant 0 : i32
    %dma_start3A_414 = tpu.memref_slice %arg4[%dma_start3A_412, %dma_start3A_413] : memref<504x256xf32, #tpu.memory_space<vmem>> -> memref<256x256xf32, #tpu.memory_space<vmem>>
    %dma_start3A_415 = arith.constant 0 : i32
    %dma_start3A_416 = tpu.memref_slice %arg3[%add3A_411, %mul3A_72, %dma_start3A_415] : memref<512x512x256xf32, #tpu.memory_space<hbm>> -> memref<1x256x256xf32, #tpu.memory_space<hbm>>
    %dma_start3A_417 = tpu.memref_squeeze %dma_start3A_416 : memref<1x256x256xf32, #tpu.memory_space<hbm>> -> memref<256x256xf32, #tpu.memory_space<hbm>>
    %dma_start3A_418 = arith.constant 0 : i32
    %dma_start3A_419 = tpu.memref_slice %arg3[%add3A_411, %mul3A_72, %dma_start3A_418] : memref<512x512x256xf32, #tpu.memory_space<hbm>> -> memref<1x256x256xf32, #tpu.memory_space<hbm>>
    %dma_start3A_420 = tpu.memref_squeeze %dma_start3A_419 : memref<1x256x256xf32, #tpu.memory_space<hbm>> -> memref<256x256xf32, #tpu.memory_space<hbm>>
    %dma_start3A_421 = arith.constant 64 : i32
    %dma_start3A_422 = arith.constant 0 : i32
    %dma_start3A_423 = tpu.memref_slice %arg4[%dma_start3A_421, %dma_start3A_422] : memref<504x256xf32, #tpu.memory_space<vmem>> -> memref<256x256xf32, #tpu.memory_space<vmem>>
    tpu.enqueue_dma source(%dma_start3A_423 : memref<256x256xf32, #tpu.memory_space<vmem>>) target(%dma_start3A_420 : memref<256x256xf32, #tpu.memory_space<hbm>>) target_semaphore(%arg5 : memref<!tpu.dma_semaphore, #tpu.memory_space<semaphore_mem>>)
    %add3A_424 = arith.constant 192 : i32
    %add3A_425 = arith.addi %add3A_77, %add3A_424 : i32
    %dma_start3A_426 = arith.constant 56 : i32
    %dma_start3A_427 = arith.constant 0 : i32
    %dma_start3A_428 = tpu.memref_slice %arg4[%dma_start3A_426, %dma_start3A_427] : memref<504x256xf32, #tpu.memory_space<vmem>> -> memref<256x256xf32, #tpu.memory_space<vmem>>
    %dma_start3A_429 = arith.constant 0 : i32
    %dma_start3A_430 = tpu.memref_slice %arg3[%add3A_425, %mul3A_72, %dma_start3A_429] : memref<512x512x256xf32, #tpu.memory_space<hbm>> -> memref<1x256x256xf32, #tpu.memory_space<hbm>>
    %dma_start3A_431 = tpu.memref_squeeze %dma_start3A_430 : memref<1x256x256xf32, #tpu.memory_space<hbm>> -> memref<256x256xf32, #tpu.memory_space<hbm>>
    %dma_start3A_432 = arith.constant 0 : i32
    %dma_start3A_433 = tpu.memref_slice %arg3[%add3A_425, %mul3A_72, %dma_start3A_432] : memref<512x512x256xf32, #tpu.memory_space<hbm>> -> memref<1x256x256xf32, #tpu.memory_space<hbm>>
    %dma_start3A_434 = tpu.memref_squeeze %dma_start3A_433 : memref<1x256x256xf32, #tpu.memory_space<hbm>> -> memref<256x256xf32, #tpu.memory_space<hbm>>
    %dma_start3A_435 = arith.constant 56 : i32
    %dma_start3A_436 = arith.constant 0 : i32
    %dma_start3A_437 = tpu.memref_slice %arg4[%dma_start3A_435, %dma_start3A_436] : memref<504x256xf32, #tpu.memory_space<vmem>> -> memref<256x256xf32, #tpu.memory_space<vmem>>
    tpu.enqueue_dma source(%dma_start3A_437 : memref<256x256xf32, #tpu.memory_space<vmem>>) target(%dma_start3A_434 : memref<256x256xf32, #tpu.memory_space<hbm>>) target_semaphore(%arg5 : memref<!tpu.dma_semaphore, #tpu.memory_space<semaphore_mem>>)
    %add3A_438 = arith.constant 200 : i32
    %add3A_439 = arith.addi %add3A_77, %add3A_438 : i32
    %dma_start3A_440 = arith.constant 48 : i32
    %dma_start3A_441 = arith.constant 0 : i32
    %dma_start3A_442 = tpu.memref_slice %arg4[%dma_start3A_440, %dma_start3A_441] : memref<504x256xf32, #tpu.memory_space<vmem>> -> memref<256x256xf32, #tpu.memory_space<vmem>>
    %dma_start3A_443 = arith.constant 0 : i32
    %dma_start3A_444 = tpu.memref_slice %arg3[%add3A_439, %mul3A_72, %dma_start3A_443] : memref<512x512x256xf32, #tpu.memory_space<hbm>> -> memref<1x256x256xf32, #tpu.memory_space<hbm>>
    %dma_start3A_445 = tpu.memref_squeeze %dma_start3A_444 : memref<1x256x256xf32, #tpu.memory_space<hbm>> -> memref<256x256xf32, #tpu.memory_space<hbm>>
    %dma_start3A_446 = arith.constant 0 : i32
    %dma_start3A_447 = tpu.memref_slice %arg3[%add3A_439, %mul3A_72, %dma_start3A_446] : memref<512x512x256xf32, #tpu.memory_space<hbm>> -> memref<1x256x256xf32, #tpu.memory_space<hbm>>
    %dma_start3A_448 = tpu.memref_squeeze %dma_start3A_447 : memref<1x256x256xf32, #tpu.memory_space<hbm>> -> memref<256x256xf32, #tpu.memory_space<hbm>>
    %dma_start3A_449 = arith.constant 48 : i32
    %dma_start3A_450 = arith.constant 0 : i32
    %dma_start3A_451 = tpu.memref_slice %arg4[%dma_start3A_449, %dma_start3A_450] : memref<504x256xf32, #tpu.memory_space<vmem>> -> memref<256x256xf32, #tpu.memory_space<vmem>>
    tpu.enqueue_dma source(%dma_start3A_451 : memref<256x256xf32, #tpu.memory_space<vmem>>) target(%dma_start3A_448 : memref<256x256xf32, #tpu.memory_space<hbm>>) target_semaphore(%arg5 : memref<!tpu.dma_semaphore, #tpu.memory_space<semaphore_mem>>)
    %add3A_452 = arith.constant 208 : i32
    %add3A_453 = arith.addi %add3A_77, %add3A_452 : i32
    %dma_start3A_454 = arith.constant 40 : i32
    %dma_start3A_455 = arith.constant 0 : i32
    %dma_start3A_456 = tpu.memref_slice %arg4[%dma_start3A_454, %dma_start3A_455] : memref<504x256xf32, #tpu.memory_space<vmem>> -> memref<256x256xf32, #tpu.memory_space<vmem>>
    %dma_start3A_457 = arith.constant 0 : i32
    %dma_start3A_458 = tpu.memref_slice %arg3[%add3A_453, %mul3A_72, %dma_start3A_457] : memref<512x512x256xf32, #tpu.memory_space<hbm>> -> memref<1x256x256xf32, #tpu.memory_space<hbm>>
    %dma_start3A_459 = tpu.memref_squeeze %dma_start3A_458 : memref<1x256x256xf32, #tpu.memory_space<hbm>> -> memref<256x256xf32, #tpu.memory_space<hbm>>
    %dma_start3A_460 = arith.constant 0 : i32
    %dma_start3A_461 = tpu.memref_slice %arg3[%add3A_453, %mul3A_72, %dma_start3A_460] : memref<512x512x256xf32, #tpu.memory_space<hbm>> -> memref<1x256x256xf32, #tpu.memory_space<hbm>>
    %dma_start3A_462 = tpu.memref_squeeze %dma_start3A_461 : memref<1x256x256xf32, #tpu.memory_space<hbm>> -> memref<256x256xf32, #tpu.memory_space<hbm>>
    %dma_start3A_463 = arith.constant 40 : i32
    %dma_start3A_464 = arith.constant 0 : i32
    %dma_start3A_465 = tpu.memref_slice %arg4[%dma_start3A_463, %dma_start3A_464] : memref<504x256xf32, #tpu.memory_space<vmem>> -> memref<256x256xf32, #tpu.memory_space<vmem>>
    tpu.enqueue_dma source(%dma_start3A_465 : memref<256x256xf32, #tpu.memory_space<vmem>>) target(%dma_start3A_462 : memref<256x256xf32, #tpu.memory_space<hbm>>) target_semaphore(%arg5 : memref<!tpu.dma_semaphore, #tpu.memory_space<semaphore_mem>>)
    %add3A_466 = arith.constant 216 : i32
    %add3A_467 = arith.addi %add3A_77, %add3A_466 : i32
    %dma_start3A_468 = arith.constant 32 : i32
    %dma_start3A_469 = arith.constant 0 : i32
    %dma_start3A_470 = tpu.memref_slice %arg4[%dma_start3A_468, %dma_start3A_469] : memref<504x256xf32, #tpu.memory_space<vmem>> -> memref<256x256xf32, #tpu.memory_space<vmem>>
    %dma_start3A_471 = arith.constant 0 : i32
    %dma_start3A_472 = tpu.memref_slice %arg3[%add3A_467, %mul3A_72, %dma_start3A_471] : memref<512x512x256xf32, #tpu.memory_space<hbm>> -> memref<1x256x256xf32, #tpu.memory_space<hbm>>
    %dma_start3A_473 = tpu.memref_squeeze %dma_start3A_472 : memref<1x256x256xf32, #tpu.memory_space<hbm>> -> memref<256x256xf32, #tpu.memory_space<hbm>>
    %dma_start3A_474 = arith.constant 0 : i32
    %dma_start3A_475 = tpu.memref_slice %arg3[%add3A_467, %mul3A_72, %dma_start3A_474] : memref<512x512x256xf32, #tpu.memory_space<hbm>> -> memref<1x256x256xf32, #tpu.memory_space<hbm>>
    %dma_start3A_476 = tpu.memref_squeeze %dma_start3A_475 : memref<1x256x256xf32, #tpu.memory_space<hbm>> -> memref<256x256xf32, #tpu.memory_space<hbm>>
    %dma_start3A_477 = arith.constant 32 : i32
    %dma_start3A_478 = arith.constant 0 : i32
    %dma_start3A_479 = tpu.memref_slice %arg4[%dma_start3A_477, %dma_start3A_478] : memref<504x256xf32, #tpu.memory_space<vmem>> -> memref<256x256xf32, #tpu.memory_space<vmem>>
    tpu.enqueue_dma source(%dma_start3A_479 : memref<256x256xf32, #tpu.memory_space<vmem>>) target(%dma_start3A_476 : memref<256x256xf32, #tpu.memory_space<hbm>>) target_semaphore(%arg5 : memref<!tpu.dma_semaphore, #tpu.memory_space<semaphore_mem>>)
    %add3A_480 = arith.constant 224 : i32
    %add3A_481 = arith.addi %add3A_77, %add3A_480 : i32
    %dma_start3A_482 = arith.constant 24 : i32
    %dma_start3A_483 = arith.constant 0 : i32
    %dma_start3A_484 = tpu.memref_slice %arg4[%dma_start3A_482, %dma_start3A_483] : memref<504x256xf32, #tpu.memory_space<vmem>> -> memref<256x256xf32, #tpu.memory_space<vmem>>
    %dma_start3A_485 = arith.constant 0 : i32
    %dma_start3A_486 = tpu.memref_slice %arg3[%add3A_481, %mul3A_72, %dma_start3A_485] : memref<512x512x256xf32, #tpu.memory_space<hbm>> -> memref<1x256x256xf32, #tpu.memory_space<hbm>>
    %dma_start3A_487 = tpu.memref_squeeze %dma_start3A_486 : memref<1x256x256xf32, #tpu.memory_space<hbm>> -> memref<256x256xf32, #tpu.memory_space<hbm>>
    %dma_start3A_488 = arith.constant 0 : i32
    %dma_start3A_489 = tpu.memref_slice %arg3[%add3A_481, %mul3A_72, %dma_start3A_488] : memref<512x512x256xf32, #tpu.memory_space<hbm>> -> memref<1x256x256xf32, #tpu.memory_space<hbm>>
    %dma_start3A_490 = tpu.memref_squeeze %dma_start3A_489 : memref<1x256x256xf32, #tpu.memory_space<hbm>> -> memref<256x256xf32, #tpu.memory_space<hbm>>
    %dma_start3A_491 = arith.constant 24 : i32
    %dma_start3A_492 = arith.constant 0 : i32
    %dma_start3A_493 = tpu.memref_slice %arg4[%dma_start3A_491, %dma_start3A_492] : memref<504x256xf32, #tpu.memory_space<vmem>> -> memref<256x256xf32, #tpu.memory_space<vmem>>
    tpu.enqueue_dma source(%dma_start3A_493 : memref<256x256xf32, #tpu.memory_space<vmem>>) target(%dma_start3A_490 : memref<256x256xf32, #tpu.memory_space<hbm>>) target_semaphore(%arg5 : memref<!tpu.dma_semaphore, #tpu.memory_space<semaphore_mem>>)
    %add3A_494 = arith.constant 232 : i32
    %add3A_495 = arith.addi %add3A_77, %add3A_494 : i32
    %dma_start3A_496 = arith.constant 16 : i32
    %dma_start3A_497 = arith.constant 0 : i32
    %dma_start3A_498 = tpu.memref_slice %arg4[%dma_start3A_496, %dma_start3A_497] : memref<504x256xf32, #tpu.memory_space<vmem>> -> memref<256x256xf32, #tpu.memory_space<vmem>>
    %dma_start3A_499 = arith.constant 0 : i32
    %dma_start3A_500 = tpu.memref_slice %arg3[%add3A_495, %mul3A_72, %dma_start3A_499] : memref<512x512x256xf32, #tpu.memory_space<hbm>> -> memref<1x256x256xf32, #tpu.memory_space<hbm>>
    %dma_start3A_501 = tpu.memref_squeeze %dma_start3A_500 : memref<1x256x256xf32, #tpu.memory_space<hbm>> -> memref<256x256xf32, #tpu.memory_space<hbm>>
    %dma_start3A_502 = arith.constant 0 : i32
    %dma_start3A_503 = tpu.memref_slice %arg3[%add3A_495, %mul3A_72, %dma_start3A_502] : memref<512x512x256xf32, #tpu.memory_space<hbm>> -> memref<1x256x256xf32, #tpu.memory_space<hbm>>
    %dma_start3A_504 = tpu.memref_squeeze %dma_start3A_503 : memref<1x256x256xf32, #tpu.memory_space<hbm>> -> memref<256x256xf32, #tpu.memory_space<hbm>>
    %dma_start3A_505 = arith.constant 16 : i32
    %dma_start3A_506 = arith.constant 0 : i32
    %dma_start3A_507 = tpu.memref_slice %arg4[%dma_start3A_505, %dma_start3A_506] : memref<504x256xf32, #tpu.memory_space<vmem>> -> memref<256x256xf32, #tpu.memory_space<vmem>>
    tpu.enqueue_dma source(%dma_start3A_507 : memref<256x256xf32, #tpu.memory_space<vmem>>) target(%dma_start3A_504 : memref<256x256xf32, #tpu.memory_space<hbm>>) target_semaphore(%arg5 : memref<!tpu.dma_semaphore, #tpu.memory_space<semaphore_mem>>)
    %add3A_508 = arith.constant 240 : i32
    %add3A_509 = arith.addi %add3A_77, %add3A_508 : i32
    %dma_start3A_510 = arith.constant 8 : i32
    %dma_start3A_511 = arith.constant 0 : i32
    %dma_start3A_512 = tpu.memref_slice %arg4[%dma_start3A_510, %dma_start3A_511] : memref<504x256xf32, #tpu.memory_space<vmem>> -> memref<256x256xf32, #tpu.memory_space<vmem>>
    %dma_start3A_513 = arith.constant 0 : i32
    %dma_start3A_514 = tpu.memref_slice %arg3[%add3A_509, %mul3A_72, %dma_start3A_513] : memref<512x512x256xf32, #tpu.memory_space<hbm>> -> memref<1x256x256xf32, #tpu.memory_space<hbm>>
    %dma_start3A_515 = tpu.memref_squeeze %dma_start3A_514 : memref<1x256x256xf32, #tpu.memory_space<hbm>> -> memref<256x256xf32, #tpu.memory_space<hbm>>
    %dma_start3A_516 = arith.constant 0 : i32
    %dma_start3A_517 = tpu.memref_slice %arg3[%add3A_509, %mul3A_72, %dma_start3A_516] : memref<512x512x256xf32, #tpu.memory_space<hbm>> -> memref<1x256x256xf32, #tpu.memory_space<hbm>>
    %dma_start3A_518 = tpu.memref_squeeze %dma_start3A_517 : memref<1x256x256xf32, #tpu.memory_space<hbm>> -> memref<256x256xf32, #tpu.memory_space<hbm>>
    %dma_start3A_519 = arith.constant 8 : i32
    %dma_start3A_520 = arith.constant 0 : i32
    %dma_start3A_521 = tpu.memref_slice %arg4[%dma_start3A_519, %dma_start3A_520] : memref<504x256xf32, #tpu.memory_space<vmem>> -> memref<256x256xf32, #tpu.memory_space<vmem>>
    tpu.enqueue_dma source(%dma_start3A_521 : memref<256x256xf32, #tpu.memory_space<vmem>>) target(%dma_start3A_518 : memref<256x256xf32, #tpu.memory_space<hbm>>) target_semaphore(%arg5 : memref<!tpu.dma_semaphore, #tpu.memory_space<semaphore_mem>>)
    %add3A_522 = arith.constant 248 : i32
    %add3A_523 = arith.addi %add3A_77, %add3A_522 : i32
    %dma_start3A_524 = arith.constant 0 : i32
    %dma_start3A_525 = arith.constant 0 : i32
    %dma_start3A_526 = tpu.memref_slice %arg4[%dma_start3A_524, %dma_start3A_525] : memref<504x256xf32, #tpu.memory_space<vmem>> -> memref<256x256xf32, #tpu.memory_space<vmem>>
    %dma_start3A_527 = arith.constant 0 : i32
    %dma_start3A_528 = tpu.memref_slice %arg3[%add3A_523, %mul3A_72, %dma_start3A_527] : memref<512x512x256xf32, #tpu.memory_space<hbm>> -> memref<1x256x256xf32, #tpu.memory_space<hbm>>
    %dma_start3A_529 = tpu.memref_squeeze %dma_start3A_528 : memref<1x256x256xf32, #tpu.memory_space<hbm>> -> memref<256x256xf32, #tpu.memory_space<hbm>>
    %dma_start3A_530 = arith.constant 0 : i32
    %dma_start3A_531 = tpu.memref_slice %arg3[%add3A_523, %mul3A_72, %dma_start3A_530] : memref<512x512x256xf32, #tpu.memory_space<hbm>> -> memref<1x256x256xf32, #tpu.memory_space<hbm>>
    %dma_start3A_532 = tpu.memref_squeeze %dma_start3A_531 : memref<1x256x256xf32, #tpu.memory_space<hbm>> -> memref<256x256xf32, #tpu.memory_space<hbm>>
    %dma_start3A_533 = arith.constant 0 : i32
    %dma_start3A_534 = arith.constant 0 : i32
    %dma_start3A_535 = tpu.memref_slice %arg4[%dma_start3A_533, %dma_start3A_534] : memref<504x256xf32, #tpu.memory_space<vmem>> -> memref<256x256xf32, #tpu.memory_space<vmem>>
    tpu.enqueue_dma source(%dma_start3A_535 : memref<256x256xf32, #tpu.memory_space<vmem>>) target(%dma_start3A_532 : memref<256x256xf32, #tpu.memory_space<hbm>>) target_semaphore(%arg5 : memref<!tpu.dma_semaphore, #tpu.memory_space<semaphore_mem>>)
    %dma_wait3A = arith.constant 248 : i32
    %dma_wait3A_536 = arith.constant 0 : i32
    %dma_wait3A_537 = tpu.memref_slice %arg4[%dma_wait3A, %dma_wait3A_536] : memref<504x256xf32, #tpu.memory_space<vmem>> -> memref<256x256xf32, #tpu.memory_space<vmem>>
    %dma_wait3A_538 = arith.constant 0 : i32
    %dma_wait3A_539 = tpu.memref_slice %arg3[%add3A_90, %mul3A_72, %dma_wait3A_538] : memref<512x512x256xf32, #tpu.memory_space<hbm>> -> memref<1x256x256xf32, #tpu.memory_space<hbm>>
    %dma_wait3A_540 = tpu.memref_squeeze %dma_wait3A_539 : memref<1x256x256xf32, #tpu.memory_space<hbm>> -> memref<256x256xf32, #tpu.memory_space<hbm>>
    %dma_wait3A_541 = arith.constant 0 : i32
    %dma_wait3A_542 = tpu.memref_slice %arg3[%add3A_90, %mul3A_72, %dma_wait3A_541] : memref<512x512x256xf32, #tpu.memory_space<hbm>> -> memref<1x256x256xf32, #tpu.memory_space<hbm>>
    %dma_wait3A_543 = tpu.memref_squeeze %dma_wait3A_542 : memref<1x256x256xf32, #tpu.memory_space<hbm>> -> memref<256x256xf32, #tpu.memory_space<hbm>>
    %dma_wait3A_544 = arith.constant 248 : i32
    %dma_wait3A_545 = arith.constant 0 : i32
    %dma_wait3A_546 = tpu.memref_slice %arg4[%dma_wait3A_544, %dma_wait3A_545] : memref<504x256xf32, #tpu.memory_space<vmem>> -> memref<256x256xf32, #tpu.memory_space<vmem>>
    tpu.wait_dma2 semaphore(%arg5 : memref<!tpu.dma_semaphore, #tpu.memory_space<semaphore_mem>>) src(%dma_wait3A_546 : memref<256x256xf32, #tpu.memory_space<vmem>>) dst(%dma_wait3A_543 : memref<256x256xf32, #tpu.memory_space<hbm>>)
    %dma_wait3A_547 = arith.constant 240 : i32
    %dma_wait3A_548 = arith.constant 0 : i32
    %dma_wait3A_549 = tpu.memref_slice %arg4[%dma_wait3A_547, %dma_wait3A_548] : memref<504x256xf32, #tpu.memory_space<vmem>> -> memref<256x256xf32, #tpu.memory_space<vmem>>
    %dma_wait3A_550 = arith.constant 0 : i32
    %dma_wait3A_551 = tpu.memref_slice %arg3[%add3A_103, %mul3A_72, %dma_wait3A_550] : memref<512x512x256xf32, #tpu.memory_space<hbm>> -> memref<1x256x256xf32, #tpu.memory_space<hbm>>
    %dma_wait3A_552 = tpu.memref_squeeze %dma_wait3A_551 : memref<1x256x256xf32, #tpu.memory_space<hbm>> -> memref<256x256xf32, #tpu.memory_space<hbm>>
    %dma_wait3A_553 = arith.constant 0 : i32
    %dma_wait3A_554 = tpu.memref_slice %arg3[%add3A_103, %mul3A_72, %dma_wait3A_553] : memref<512x512x256xf32, #tpu.memory_space<hbm>> -> memref<1x256x256xf32, #tpu.memory_space<hbm>>
    %dma_wait3A_555 = tpu.memref_squeeze %dma_wait3A_554 : memref<1x256x256xf32, #tpu.memory_space<hbm>> -> memref<256x256xf32, #tpu.memory_space<hbm>>
    %dma_wait3A_556 = arith.constant 240 : i32
    %dma_wait3A_557 = arith.constant 0 : i32
    %dma_wait3A_558 = tpu.memref_slice %arg4[%dma_wait3A_556, %dma_wait3A_557] : memref<504x256xf32, #tpu.memory_space<vmem>> -> memref<256x256xf32, #tpu.memory_space<vmem>>
    tpu.wait_dma2 semaphore(%arg5 : memref<!tpu.dma_semaphore, #tpu.memory_space<semaphore_mem>>) src(%dma_wait3A_558 : memref<256x256xf32, #tpu.memory_space<vmem>>) dst(%dma_wait3A_555 : memref<256x256xf32, #tpu.memory_space<hbm>>)
    %dma_wait3A_559 = arith.constant 232 : i32
    %dma_wait3A_560 = arith.constant 0 : i32
    %dma_wait3A_561 = tpu.memref_slice %arg4[%dma_wait3A_559, %dma_wait3A_560] : memref<504x256xf32, #tpu.memory_space<vmem>> -> memref<256x256xf32, #tpu.memory_space<vmem>>
    %dma_wait3A_562 = arith.constant 0 : i32
    %dma_wait3A_563 = tpu.memref_slice %arg3[%add3A_117, %mul3A_72, %dma_wait3A_562] : memref<512x512x256xf32, #tpu.memory_space<hbm>> -> memref<1x256x256xf32, #tpu.memory_space<hbm>>
    %dma_wait3A_564 = tpu.memref_squeeze %dma_wait3A_563 : memref<1x256x256xf32, #tpu.memory_space<hbm>> -> memref<256x256xf32, #tpu.memory_space<hbm>>
    %dma_wait3A_565 = arith.constant 0 : i32
    %dma_wait3A_566 = tpu.memref_slice %arg3[%add3A_117, %mul3A_72, %dma_wait3A_565] : memref<512x512x256xf32, #tpu.memory_space<hbm>> -> memref<1x256x256xf32, #tpu.memory_space<hbm>>
    %dma_wait3A_567 = tpu.memref_squeeze %dma_wait3A_566 : memref<1x256x256xf32, #tpu.memory_space<hbm>> -> memref<256x256xf32, #tpu.memory_space<hbm>>
    %dma_wait3A_568 = arith.constant 232 : i32
    %dma_wait3A_569 = arith.constant 0 : i32
    %dma_wait3A_570 = tpu.memref_slice %arg4[%dma_wait3A_568, %dma_wait3A_569] : memref<504x256xf32, #tpu.memory_space<vmem>> -> memref<256x256xf32, #tpu.memory_space<vmem>>
    tpu.wait_dma2 semaphore(%arg5 : memref<!tpu.dma_semaphore, #tpu.memory_space<semaphore_mem>>) src(%dma_wait3A_570 : memref<256x256xf32, #tpu.memory_space<vmem>>) dst(%dma_wait3A_567 : memref<256x256xf32, #tpu.memory_space<hbm>>)
    %dma_wait3A_571 = arith.constant 224 : i32
    %dma_wait3A_572 = arith.constant 0 : i32
    %dma_wait3A_573 = tpu.memref_slice %arg4[%dma_wait3A_571, %dma_wait3A_572] : memref<504x256xf32, #tpu.memory_space<vmem>> -> memref<256x256xf32, #tpu.memory_space<vmem>>
    %dma_wait3A_574 = arith.constant 0 : i32
    %dma_wait3A_575 = tpu.memref_slice %arg3[%add3A_131, %mul3A_72, %dma_wait3A_574] : memref<512x512x256xf32, #tpu.memory_space<hbm>> -> memref<1x256x256xf32, #tpu.memory_space<hbm>>
    %dma_wait3A_576 = tpu.memref_squeeze %dma_wait3A_575 : memref<1x256x256xf32, #tpu.memory_space<hbm>> -> memref<256x256xf32, #tpu.memory_space<hbm>>
    %dma_wait3A_577 = arith.constant 0 : i32
    %dma_wait3A_578 = tpu.memref_slice %arg3[%add3A_131, %mul3A_72, %dma_wait3A_577] : memref<512x512x256xf32, #tpu.memory_space<hbm>> -> memref<1x256x256xf32, #tpu.memory_space<hbm>>
    %dma_wait3A_579 = tpu.memref_squeeze %dma_wait3A_578 : memref<1x256x256xf32, #tpu.memory_space<hbm>> -> memref<256x256xf32, #tpu.memory_space<hbm>>
    %dma_wait3A_580 = arith.constant 224 : i32
    %dma_wait3A_581 = arith.constant 0 : i32
    %dma_wait3A_582 = tpu.memref_slice %arg4[%dma_wait3A_580, %dma_wait3A_581] : memref<504x256xf32, #tpu.memory_space<vmem>> -> memref<256x256xf32, #tpu.memory_space<vmem>>
    tpu.wait_dma2 semaphore(%arg5 : memref<!tpu.dma_semaphore, #tpu.memory_space<semaphore_mem>>) src(%dma_wait3A_582 : memref<256x256xf32, #tpu.memory_space<vmem>>) dst(%dma_wait3A_579 : memref<256x256xf32, #tpu.memory_space<hbm>>)
    %dma_wait3A_583 = arith.constant 216 : i32
    %dma_wait3A_584 = arith.constant 0 : i32
    %dma_wait3A_585 = tpu.memref_slice %arg4[%dma_wait3A_583, %dma_wait3A_584] : memref<504x256xf32, #tpu.memory_space<vmem>> -> memref<256x256xf32, #tpu.memory_space<vmem>>
    %dma_wait3A_586 = arith.constant 0 : i32
    %dma_wait3A_587 = tpu.memref_slice %arg3[%add3A_145, %mul3A_72, %dma_wait3A_586] : memref<512x512x256xf32, #tpu.memory_space<hbm>> -> memref<1x256x256xf32, #tpu.memory_space<hbm>>
    %dma_wait3A_588 = tpu.memref_squeeze %dma_wait3A_587 : memref<1x256x256xf32, #tpu.memory_space<hbm>> -> memref<256x256xf32, #tpu.memory_space<hbm>>
    %dma_wait3A_589 = arith.constant 0 : i32
    %dma_wait3A_590 = tpu.memref_slice %arg3[%add3A_145, %mul3A_72, %dma_wait3A_589] : memref<512x512x256xf32, #tpu.memory_space<hbm>> -> memref<1x256x256xf32, #tpu.memory_space<hbm>>
    %dma_wait3A_591 = tpu.memref_squeeze %dma_wait3A_590 : memref<1x256x256xf32, #tpu.memory_space<hbm>> -> memref<256x256xf32, #tpu.memory_space<hbm>>
    %dma_wait3A_592 = arith.constant 216 : i32
    %dma_wait3A_593 = arith.constant 0 : i32
    %dma_wait3A_594 = tpu.memref_slice %arg4[%dma_wait3A_592, %dma_wait3A_593] : memref<504x256xf32, #tpu.memory_space<vmem>> -> memref<256x256xf32, #tpu.memory_space<vmem>>
    tpu.wait_dma2 semaphore(%arg5 : memref<!tpu.dma_semaphore, #tpu.memory_space<semaphore_mem>>) src(%dma_wait3A_594 : memref<256x256xf32, #tpu.memory_space<vmem>>) dst(%dma_wait3A_591 : memref<256x256xf32, #tpu.memory_space<hbm>>)
    %dma_wait3A_595 = arith.constant 208 : i32
    %dma_wait3A_596 = arith.constant 0 : i32
    %dma_wait3A_597 = tpu.memref_slice %arg4[%dma_wait3A_595, %dma_wait3A_596] : memref<504x256xf32, #tpu.memory_space<vmem>> -> memref<256x256xf32, #tpu.memory_space<vmem>>
    %dma_wait3A_598 = arith.constant 0 : i32
    %dma_wait3A_599 = tpu.memref_slice %arg3[%add3A_159, %mul3A_72, %dma_wait3A_598] : memref<512x512x256xf32, #tpu.memory_space<hbm>> -> memref<1x256x256xf32, #tpu.memory_space<hbm>>
    %dma_wait3A_600 = tpu.memref_squeeze %dma_wait3A_599 : memref<1x256x256xf32, #tpu.memory_space<hbm>> -> memref<256x256xf32, #tpu.memory_space<hbm>>
    %dma_wait3A_601 = arith.constant 0 : i32
    %dma_wait3A_602 = tpu.memref_slice %arg3[%add3A_159, %mul3A_72, %dma_wait3A_601] : memref<512x512x256xf32, #tpu.memory_space<hbm>> -> memref<1x256x256xf32, #tpu.memory_space<hbm>>
    %dma_wait3A_603 = tpu.memref_squeeze %dma_wait3A_602 : memref<1x256x256xf32, #tpu.memory_space<hbm>> -> memref<256x256xf32, #tpu.memory_space<hbm>>
    %dma_wait3A_604 = arith.constant 208 : i32
    %dma_wait3A_605 = arith.constant 0 : i32
    %dma_wait3A_606 = tpu.memref_slice %arg4[%dma_wait3A_604, %dma_wait3A_605] : memref<504x256xf32, #tpu.memory_space<vmem>> -> memref<256x256xf32, #tpu.memory_space<vmem>>
    tpu.wait_dma2 semaphore(%arg5 : memref<!tpu.dma_semaphore, #tpu.memory_space<semaphore_mem>>) src(%dma_wait3A_606 : memref<256x256xf32, #tpu.memory_space<vmem>>) dst(%dma_wait3A_603 : memref<256x256xf32, #tpu.memory_space<hbm>>)
    %dma_wait3A_607 = arith.constant 200 : i32
    %dma_wait3A_608 = arith.constant 0 : i32
    %dma_wait3A_609 = tpu.memref_slice %arg4[%dma_wait3A_607, %dma_wait3A_608] : memref<504x256xf32, #tpu.memory_space<vmem>> -> memref<256x256xf32, #tpu.memory_space<vmem>>
    %dma_wait3A_610 = arith.constant 0 : i32
    %dma_wait3A_611 = tpu.memref_slice %arg3[%add3A_173, %mul3A_72, %dma_wait3A_610] : memref<512x512x256xf32, #tpu.memory_space<hbm>> -> memref<1x256x256xf32, #tpu.memory_space<hbm>>
    %dma_wait3A_612 = tpu.memref_squeeze %dma_wait3A_611 : memref<1x256x256xf32, #tpu.memory_space<hbm>> -> memref<256x256xf32, #tpu.memory_space<hbm>>
    %dma_wait3A_613 = arith.constant 0 : i32
    %dma_wait3A_614 = tpu.memref_slice %arg3[%add3A_173, %mul3A_72, %dma_wait3A_613] : memref<512x512x256xf32, #tpu.memory_space<hbm>> -> memref<1x256x256xf32, #tpu.memory_space<hbm>>
    %dma_wait3A_615 = tpu.memref_squeeze %dma_wait3A_614 : memref<1x256x256xf32, #tpu.memory_space<hbm>> -> memref<256x256xf32, #tpu.memory_space<hbm>>
    %dma_wait3A_616 = arith.constant 200 : i32
    %dma_wait3A_617 = arith.constant 0 : i32
    %dma_wait3A_618 = tpu.memref_slice %arg4[%dma_wait3A_616, %dma_wait3A_617] : memref<504x256xf32, #tpu.memory_space<vmem>> -> memref<256x256xf32, #tpu.memory_space<vmem>>
    tpu.wait_dma2 semaphore(%arg5 : memref<!tpu.dma_semaphore, #tpu.memory_space<semaphore_mem>>) src(%dma_wait3A_618 : memref<256x256xf32, #tpu.memory_space<vmem>>) dst(%dma_wait3A_615 : memref<256x256xf32, #tpu.memory_space<hbm>>)
    %dma_wait3A_619 = arith.constant 192 : i32
    %dma_wait3A_620 = arith.constant 0 : i32
    %dma_wait3A_621 = tpu.memref_slice %arg4[%dma_wait3A_619, %dma_wait3A_620] : memref<504x256xf32, #tpu.memory_space<vmem>> -> memref<256x256xf32, #tpu.memory_space<vmem>>
    %dma_wait3A_622 = arith.constant 0 : i32
    %dma_wait3A_623 = tpu.memref_slice %arg3[%add3A_187, %mul3A_72, %dma_wait3A_622] : memref<512x512x256xf32, #tpu.memory_space<hbm>> -> memref<1x256x256xf32, #tpu.memory_space<hbm>>
    %dma_wait3A_624 = tpu.memref_squeeze %dma_wait3A_623 : memref<1x256x256xf32, #tpu.memory_space<hbm>> -> memref<256x256xf32, #tpu.memory_space<hbm>>
    %dma_wait3A_625 = arith.constant 0 : i32
    %dma_wait3A_626 = tpu.memref_slice %arg3[%add3A_187, %mul3A_72, %dma_wait3A_625] : memref<512x512x256xf32, #tpu.memory_space<hbm>> -> memref<1x256x256xf32, #tpu.memory_space<hbm>>
    %dma_wait3A_627 = tpu.memref_squeeze %dma_wait3A_626 : memref<1x256x256xf32, #tpu.memory_space<hbm>> -> memref<256x256xf32, #tpu.memory_space<hbm>>
    %dma_wait3A_628 = arith.constant 192 : i32
    %dma_wait3A_629 = arith.constant 0 : i32
    %dma_wait3A_630 = tpu.memref_slice %arg4[%dma_wait3A_628, %dma_wait3A_629] : memref<504x256xf32, #tpu.memory_space<vmem>> -> memref<256x256xf32, #tpu.memory_space<vmem>>
    tpu.wait_dma2 semaphore(%arg5 : memref<!tpu.dma_semaphore, #tpu.memory_space<semaphore_mem>>) src(%dma_wait3A_630 : memref<256x256xf32, #tpu.memory_space<vmem>>) dst(%dma_wait3A_627 : memref<256x256xf32, #tpu.memory_space<hbm>>)
    %dma_wait3A_631 = arith.constant 184 : i32
    %dma_wait3A_632 = arith.constant 0 : i32
    %dma_wait3A_633 = tpu.memref_slice %arg4[%dma_wait3A_631, %dma_wait3A_632] : memref<504x256xf32, #tpu.memory_space<vmem>> -> memref<256x256xf32, #tpu.memory_space<vmem>>
    %dma_wait3A_634 = arith.constant 0 : i32
    %dma_wait3A_635 = tpu.memref_slice %arg3[%add3A_201, %mul3A_72, %dma_wait3A_634] : memref<512x512x256xf32, #tpu.memory_space<hbm>> -> memref<1x256x256xf32, #tpu.memory_space<hbm>>
    %dma_wait3A_636 = tpu.memref_squeeze %dma_wait3A_635 : memref<1x256x256xf32, #tpu.memory_space<hbm>> -> memref<256x256xf32, #tpu.memory_space<hbm>>
    %dma_wait3A_637 = arith.constant 0 : i32
    %dma_wait3A_638 = tpu.memref_slice %arg3[%add3A_201, %mul3A_72, %dma_wait3A_637] : memref<512x512x256xf32, #tpu.memory_space<hbm>> -> memref<1x256x256xf32, #tpu.memory_space<hbm>>
    %dma_wait3A_639 = tpu.memref_squeeze %dma_wait3A_638 : memref<1x256x256xf32, #tpu.memory_space<hbm>> -> memref<256x256xf32, #tpu.memory_space<hbm>>
    %dma_wait3A_640 = arith.constant 184 : i32
    %dma_wait3A_641 = arith.constant 0 : i32
    %dma_wait3A_642 = tpu.memref_slice %arg4[%dma_wait3A_640, %dma_wait3A_641] : memref<504x256xf32, #tpu.memory_space<vmem>> -> memref<256x256xf32, #tpu.memory_space<vmem>>
    tpu.wait_dma2 semaphore(%arg5 : memref<!tpu.dma_semaphore, #tpu.memory_space<semaphore_mem>>) src(%dma_wait3A_642 : memref<256x256xf32, #tpu.memory_space<vmem>>) dst(%dma_wait3A_639 : memref<256x256xf32, #tpu.memory_space<hbm>>)
    %dma_wait3A_643 = arith.constant 176 : i32
    %dma_wait3A_644 = arith.constant 0 : i32
    %dma_wait3A_645 = tpu.memref_slice %arg4[%dma_wait3A_643, %dma_wait3A_644] : memref<504x256xf32, #tpu.memory_space<vmem>> -> memref<256x256xf32, #tpu.memory_space<vmem>>
    %dma_wait3A_646 = arith.constant 0 : i32
    %dma_wait3A_647 = tpu.memref_slice %arg3[%add3A_215, %mul3A_72, %dma_wait3A_646] : memref<512x512x256xf32, #tpu.memory_space<hbm>> -> memref<1x256x256xf32, #tpu.memory_space<hbm>>
    %dma_wait3A_648 = tpu.memref_squeeze %dma_wait3A_647 : memref<1x256x256xf32, #tpu.memory_space<hbm>> -> memref<256x256xf32, #tpu.memory_space<hbm>>
    %dma_wait3A_649 = arith.constant 0 : i32
    %dma_wait3A_650 = tpu.memref_slice %arg3[%add3A_215, %mul3A_72, %dma_wait3A_649] : memref<512x512x256xf32, #tpu.memory_space<hbm>> -> memref<1x256x256xf32, #tpu.memory_space<hbm>>
    %dma_wait3A_651 = tpu.memref_squeeze %dma_wait3A_650 : memref<1x256x256xf32, #tpu.memory_space<hbm>> -> memref<256x256xf32, #tpu.memory_space<hbm>>
    %dma_wait3A_652 = arith.constant 176 : i32
    %dma_wait3A_653 = arith.constant 0 : i32
    %dma_wait3A_654 = tpu.memref_slice %arg4[%dma_wait3A_652, %dma_wait3A_653] : memref<504x256xf32, #tpu.memory_space<vmem>> -> memref<256x256xf32, #tpu.memory_space<vmem>>
    tpu.wait_dma2 semaphore(%arg5 : memref<!tpu.dma_semaphore, #tpu.memory_space<semaphore_mem>>) src(%dma_wait3A_654 : memref<256x256xf32, #tpu.memory_space<vmem>>) dst(%dma_wait3A_651 : memref<256x256xf32, #tpu.memory_space<hbm>>)
    %dma_wait3A_655 = arith.constant 168 : i32
    %dma_wait3A_656 = arith.constant 0 : i32
    %dma_wait3A_657 = tpu.memref_slice %arg4[%dma_wait3A_655, %dma_wait3A_656] : memref<504x256xf32, #tpu.memory_space<vmem>> -> memref<256x256xf32, #tpu.memory_space<vmem>>
    %dma_wait3A_658 = arith.constant 0 : i32
    %dma_wait3A_659 = tpu.memref_slice %arg3[%add3A_229, %mul3A_72, %dma_wait3A_658] : memref<512x512x256xf32, #tpu.memory_space<hbm>> -> memref<1x256x256xf32, #tpu.memory_space<hbm>>
    %dma_wait3A_660 = tpu.memref_squeeze %dma_wait3A_659 : memref<1x256x256xf32, #tpu.memory_space<hbm>> -> memref<256x256xf32, #tpu.memory_space<hbm>>
    %dma_wait3A_661 = arith.constant 0 : i32
    %dma_wait3A_662 = tpu.memref_slice %arg3[%add3A_229, %mul3A_72, %dma_wait3A_661] : memref<512x512x256xf32, #tpu.memory_space<hbm>> -> memref<1x256x256xf32, #tpu.memory_space<hbm>>
    %dma_wait3A_663 = tpu.memref_squeeze %dma_wait3A_662 : memref<1x256x256xf32, #tpu.memory_space<hbm>> -> memref<256x256xf32, #tpu.memory_space<hbm>>
    %dma_wait3A_664 = arith.constant 168 : i32
    %dma_wait3A_665 = arith.constant 0 : i32
    %dma_wait3A_666 = tpu.memref_slice %arg4[%dma_wait3A_664, %dma_wait3A_665] : memref<504x256xf32, #tpu.memory_space<vmem>> -> memref<256x256xf32, #tpu.memory_space<vmem>>
    tpu.wait_dma2 semaphore(%arg5 : memref<!tpu.dma_semaphore, #tpu.memory_space<semaphore_mem>>) src(%dma_wait3A_666 : memref<256x256xf32, #tpu.memory_space<vmem>>) dst(%dma_wait3A_663 : memref<256x256xf32, #tpu.memory_space<hbm>>)
    %dma_wait3A_667 = arith.constant 160 : i32
    %dma_wait3A_668 = arith.constant 0 : i32
    %dma_wait3A_669 = tpu.memref_slice %arg4[%dma_wait3A_667, %dma_wait3A_668] : memref<504x256xf32, #tpu.memory_space<vmem>> -> memref<256x256xf32, #tpu.memory_space<vmem>>
    %dma_wait3A_670 = arith.constant 0 : i32
    %dma_wait3A_671 = tpu.memref_slice %arg3[%add3A_243, %mul3A_72, %dma_wait3A_670] : memref<512x512x256xf32, #tpu.memory_space<hbm>> -> memref<1x256x256xf32, #tpu.memory_space<hbm>>
    %dma_wait3A_672 = tpu.memref_squeeze %dma_wait3A_671 : memref<1x256x256xf32, #tpu.memory_space<hbm>> -> memref<256x256xf32, #tpu.memory_space<hbm>>
    %dma_wait3A_673 = arith.constant 0 : i32
    %dma_wait3A_674 = tpu.memref_slice %arg3[%add3A_243, %mul3A_72, %dma_wait3A_673] : memref<512x512x256xf32, #tpu.memory_space<hbm>> -> memref<1x256x256xf32, #tpu.memory_space<hbm>>
    %dma_wait3A_675 = tpu.memref_squeeze %dma_wait3A_674 : memref<1x256x256xf32, #tpu.memory_space<hbm>> -> memref<256x256xf32, #tpu.memory_space<hbm>>
    %dma_wait3A_676 = arith.constant 160 : i32
    %dma_wait3A_677 = arith.constant 0 : i32
    %dma_wait3A_678 = tpu.memref_slice %arg4[%dma_wait3A_676, %dma_wait3A_677] : memref<504x256xf32, #tpu.memory_space<vmem>> -> memref<256x256xf32, #tpu.memory_space<vmem>>
    tpu.wait_dma2 semaphore(%arg5 : memref<!tpu.dma_semaphore, #tpu.memory_space<semaphore_mem>>) src(%dma_wait3A_678 : memref<256x256xf32, #tpu.memory_space<vmem>>) dst(%dma_wait3A_675 : memref<256x256xf32, #tpu.memory_space<hbm>>)
    %dma_wait3A_679 = arith.constant 152 : i32
    %dma_wait3A_680 = arith.constant 0 : i32
    %dma_wait3A_681 = tpu.memref_slice %arg4[%dma_wait3A_679, %dma_wait3A_680] : memref<504x256xf32, #tpu.memory_space<vmem>> -> memref<256x256xf32, #tpu.memory_space<vmem>>
    %dma_wait3A_682 = arith.constant 0 : i32
    %dma_wait3A_683 = tpu.memref_slice %arg3[%add3A_257, %mul3A_72, %dma_wait3A_682] : memref<512x512x256xf32, #tpu.memory_space<hbm>> -> memref<1x256x256xf32, #tpu.memory_space<hbm>>
    %dma_wait3A_684 = tpu.memref_squeeze %dma_wait3A_683 : memref<1x256x256xf32, #tpu.memory_space<hbm>> -> memref<256x256xf32, #tpu.memory_space<hbm>>
    %dma_wait3A_685 = arith.constant 0 : i32
    %dma_wait3A_686 = tpu.memref_slice %arg3[%add3A_257, %mul3A_72, %dma_wait3A_685] : memref<512x512x256xf32, #tpu.memory_space<hbm>> -> memref<1x256x256xf32, #tpu.memory_space<hbm>>
    %dma_wait3A_687 = tpu.memref_squeeze %dma_wait3A_686 : memref<1x256x256xf32, #tpu.memory_space<hbm>> -> memref<256x256xf32, #tpu.memory_space<hbm>>
    %dma_wait3A_688 = arith.constant 152 : i32
    %dma_wait3A_689 = arith.constant 0 : i32
    %dma_wait3A_690 = tpu.memref_slice %arg4[%dma_wait3A_688, %dma_wait3A_689] : memref<504x256xf32, #tpu.memory_space<vmem>> -> memref<256x256xf32, #tpu.memory_space<vmem>>
    tpu.wait_dma2 semaphore(%arg5 : memref<!tpu.dma_semaphore, #tpu.memory_space<semaphore_mem>>) src(%dma_wait3A_690 : memref<256x256xf32, #tpu.memory_space<vmem>>) dst(%dma_wait3A_687 : memref<256x256xf32, #tpu.memory_space<hbm>>)
    %dma_wait3A_691 = arith.constant 144 : i32
    %dma_wait3A_692 = arith.constant 0 : i32
    %dma_wait3A_693 = tpu.memref_slice %arg4[%dma_wait3A_691, %dma_wait3A_692] : memref<504x256xf32, #tpu.memory_space<vmem>> -> memref<256x256xf32, #tpu.memory_space<vmem>>
    %dma_wait3A_694 = arith.constant 0 : i32
    %dma_wait3A_695 = tpu.memref_slice %arg3[%add3A_271, %mul3A_72, %dma_wait3A_694] : memref<512x512x256xf32, #tpu.memory_space<hbm>> -> memref<1x256x256xf32, #tpu.memory_space<hbm>>
    %dma_wait3A_696 = tpu.memref_squeeze %dma_wait3A_695 : memref<1x256x256xf32, #tpu.memory_space<hbm>> -> memref<256x256xf32, #tpu.memory_space<hbm>>
    %dma_wait3A_697 = arith.constant 0 : i32
    %dma_wait3A_698 = tpu.memref_slice %arg3[%add3A_271, %mul3A_72, %dma_wait3A_697] : memref<512x512x256xf32, #tpu.memory_space<hbm>> -> memref<1x256x256xf32, #tpu.memory_space<hbm>>
    %dma_wait3A_699 = tpu.memref_squeeze %dma_wait3A_698 : memref<1x256x256xf32, #tpu.memory_space<hbm>> -> memref<256x256xf32, #tpu.memory_space<hbm>>
    %dma_wait3A_700 = arith.constant 144 : i32
    %dma_wait3A_701 = arith.constant 0 : i32
    %dma_wait3A_702 = tpu.memref_slice %arg4[%dma_wait3A_700, %dma_wait3A_701] : memref<504x256xf32, #tpu.memory_space<vmem>> -> memref<256x256xf32, #tpu.memory_space<vmem>>
    tpu.wait_dma2 semaphore(%arg5 : memref<!tpu.dma_semaphore, #tpu.memory_space<semaphore_mem>>) src(%dma_wait3A_702 : memref<256x256xf32, #tpu.memory_space<vmem>>) dst(%dma_wait3A_699 : memref<256x256xf32, #tpu.memory_space<hbm>>)
    %dma_wait3A_703 = arith.constant 136 : i32
    %dma_wait3A_704 = arith.constant 0 : i32
    %dma_wait3A_705 = tpu.memref_slice %arg4[%dma_wait3A_703, %dma_wait3A_704] : memref<504x256xf32, #tpu.memory_space<vmem>> -> memref<256x256xf32, #tpu.memory_space<vmem>>
    %dma_wait3A_706 = arith.constant 0 : i32
    %dma_wait3A_707 = tpu.memref_slice %arg3[%add3A_285, %mul3A_72, %dma_wait3A_706] : memref<512x512x256xf32, #tpu.memory_space<hbm>> -> memref<1x256x256xf32, #tpu.memory_space<hbm>>
    %dma_wait3A_708 = tpu.memref_squeeze %dma_wait3A_707 : memref<1x256x256xf32, #tpu.memory_space<hbm>> -> memref<256x256xf32, #tpu.memory_space<hbm>>
    %dma_wait3A_709 = arith.constant 0 : i32
    %dma_wait3A_710 = tpu.memref_slice %arg3[%add3A_285, %mul3A_72, %dma_wait3A_709] : memref<512x512x256xf32, #tpu.memory_space<hbm>> -> memref<1x256x256xf32, #tpu.memory_space<hbm>>
    %dma_wait3A_711 = tpu.memref_squeeze %dma_wait3A_710 : memref<1x256x256xf32, #tpu.memory_space<hbm>> -> memref<256x256xf32, #tpu.memory_space<hbm>>
    %dma_wait3A_712 = arith.constant 136 : i32
    %dma_wait3A_713 = arith.constant 0 : i32
    %dma_wait3A_714 = tpu.memref_slice %arg4[%dma_wait3A_712, %dma_wait3A_713] : memref<504x256xf32, #tpu.memory_space<vmem>> -> memref<256x256xf32, #tpu.memory_space<vmem>>
    tpu.wait_dma2 semaphore(%arg5 : memref<!tpu.dma_semaphore, #tpu.memory_space<semaphore_mem>>) src(%dma_wait3A_714 : memref<256x256xf32, #tpu.memory_space<vmem>>) dst(%dma_wait3A_711 : memref<256x256xf32, #tpu.memory_space<hbm>>)
    %dma_wait3A_715 = arith.constant 128 : i32
    %dma_wait3A_716 = arith.constant 0 : i32
    %dma_wait3A_717 = tpu.memref_slice %arg4[%dma_wait3A_715, %dma_wait3A_716] : memref<504x256xf32, #tpu.memory_space<vmem>> -> memref<256x256xf32, #tpu.memory_space<vmem>>
    %dma_wait3A_718 = arith.constant 0 : i32
    %dma_wait3A_719 = tpu.memref_slice %arg3[%add3A_299, %mul3A_72, %dma_wait3A_718] : memref<512x512x256xf32, #tpu.memory_space<hbm>> -> memref<1x256x256xf32, #tpu.memory_space<hbm>>
    %dma_wait3A_720 = tpu.memref_squeeze %dma_wait3A_719 : memref<1x256x256xf32, #tpu.memory_space<hbm>> -> memref<256x256xf32, #tpu.memory_space<hbm>>
    %dma_wait3A_721 = arith.constant 0 : i32
    %dma_wait3A_722 = tpu.memref_slice %arg3[%add3A_299, %mul3A_72, %dma_wait3A_721] : memref<512x512x256xf32, #tpu.memory_space<hbm>> -> memref<1x256x256xf32, #tpu.memory_space<hbm>>
    %dma_wait3A_723 = tpu.memref_squeeze %dma_wait3A_722 : memref<1x256x256xf32, #tpu.memory_space<hbm>> -> memref<256x256xf32, #tpu.memory_space<hbm>>
    %dma_wait3A_724 = arith.constant 128 : i32
    %dma_wait3A_725 = arith.constant 0 : i32
    %dma_wait3A_726 = tpu.memref_slice %arg4[%dma_wait3A_724, %dma_wait3A_725] : memref<504x256xf32, #tpu.memory_space<vmem>> -> memref<256x256xf32, #tpu.memory_space<vmem>>
    tpu.wait_dma2 semaphore(%arg5 : memref<!tpu.dma_semaphore, #tpu.memory_space<semaphore_mem>>) src(%dma_wait3A_726 : memref<256x256xf32, #tpu.memory_space<vmem>>) dst(%dma_wait3A_723 : memref<256x256xf32, #tpu.memory_space<hbm>>)
    %dma_wait3A_727 = arith.constant 120 : i32
    %dma_wait3A_728 = arith.constant 0 : i32
    %dma_wait3A_729 = tpu.memref_slice %arg4[%dma_wait3A_727, %dma_wait3A_728] : memref<504x256xf32, #tpu.memory_space<vmem>> -> memref<256x256xf32, #tpu.memory_space<vmem>>
    %dma_wait3A_730 = arith.constant 0 : i32
    %dma_wait3A_731 = tpu.memref_slice %arg3[%add3A_313, %mul3A_72, %dma_wait3A_730] : memref<512x512x256xf32, #tpu.memory_space<hbm>> -> memref<1x256x256xf32, #tpu.memory_space<hbm>>
    %dma_wait3A_732 = tpu.memref_squeeze %dma_wait3A_731 : memref<1x256x256xf32, #tpu.memory_space<hbm>> -> memref<256x256xf32, #tpu.memory_space<hbm>>
    %dma_wait3A_733 = arith.constant 0 : i32
    %dma_wait3A_734 = tpu.memref_slice %arg3[%add3A_313, %mul3A_72, %dma_wait3A_733] : memref<512x512x256xf32, #tpu.memory_space<hbm>> -> memref<1x256x256xf32, #tpu.memory_space<hbm>>
    %dma_wait3A_735 = tpu.memref_squeeze %dma_wait3A_734 : memref<1x256x256xf32, #tpu.memory_space<hbm>> -> memref<256x256xf32, #tpu.memory_space<hbm>>
    %dma_wait3A_736 = arith.constant 120 : i32
    %dma_wait3A_737 = arith.constant 0 : i32
    %dma_wait3A_738 = tpu.memref_slice %arg4[%dma_wait3A_736, %dma_wait3A_737] : memref<504x256xf32, #tpu.memory_space<vmem>> -> memref<256x256xf32, #tpu.memory_space<vmem>>
    tpu.wait_dma2 semaphore(%arg5 : memref<!tpu.dma_semaphore, #tpu.memory_space<semaphore_mem>>) src(%dma_wait3A_738 : memref<256x256xf32, #tpu.memory_space<vmem>>) dst(%dma_wait3A_735 : memref<256x256xf32, #tpu.memory_space<hbm>>)
    %dma_wait3A_739 = arith.constant 112 : i32
    %dma_wait3A_740 = arith.constant 0 : i32
    %dma_wait3A_741 = tpu.memref_slice %arg4[%dma_wait3A_739, %dma_wait3A_740] : memref<504x256xf32, #tpu.memory_space<vmem>> -> memref<256x256xf32, #tpu.memory_space<vmem>>
    %dma_wait3A_742 = arith.constant 0 : i32
    %dma_wait3A_743 = tpu.memref_slice %arg3[%add3A_327, %mul3A_72, %dma_wait3A_742] : memref<512x512x256xf32, #tpu.memory_space<hbm>> -> memref<1x256x256xf32, #tpu.memory_space<hbm>>
    %dma_wait3A_744 = tpu.memref_squeeze %dma_wait3A_743 : memref<1x256x256xf32, #tpu.memory_space<hbm>> -> memref<256x256xf32, #tpu.memory_space<hbm>>
    %dma_wait3A_745 = arith.constant 0 : i32
    %dma_wait3A_746 = tpu.memref_slice %arg3[%add3A_327, %mul3A_72, %dma_wait3A_745] : memref<512x512x256xf32, #tpu.memory_space<hbm>> -> memref<1x256x256xf32, #tpu.memory_space<hbm>>
    %dma_wait3A_747 = tpu.memref_squeeze %dma_wait3A_746 : memref<1x256x256xf32, #tpu.memory_space<hbm>> -> memref<256x256xf32, #tpu.memory_space<hbm>>
    %dma_wait3A_748 = arith.constant 112 : i32
    %dma_wait3A_749 = arith.constant 0 : i32
    %dma_wait3A_750 = tpu.memref_slice %arg4[%dma_wait3A_748, %dma_wait3A_749] : memref<504x256xf32, #tpu.memory_space<vmem>> -> memref<256x256xf32, #tpu.memory_space<vmem>>
    tpu.wait_dma2 semaphore(%arg5 : memref<!tpu.dma_semaphore, #tpu.memory_space<semaphore_mem>>) src(%dma_wait3A_750 : memref<256x256xf32, #tpu.memory_space<vmem>>) dst(%dma_wait3A_747 : memref<256x256xf32, #tpu.memory_space<hbm>>)
    %dma_wait3A_751 = arith.constant 104 : i32
    %dma_wait3A_752 = arith.constant 0 : i32
    %dma_wait3A_753 = tpu.memref_slice %arg4[%dma_wait3A_751, %dma_wait3A_752] : memref<504x256xf32, #tpu.memory_space<vmem>> -> memref<256x256xf32, #tpu.memory_space<vmem>>
    %dma_wait3A_754 = arith.constant 0 : i32
    %dma_wait3A_755 = tpu.memref_slice %arg3[%add3A_341, %mul3A_72, %dma_wait3A_754] : memref<512x512x256xf32, #tpu.memory_space<hbm>> -> memref<1x256x256xf32, #tpu.memory_space<hbm>>
    %dma_wait3A_756 = tpu.memref_squeeze %dma_wait3A_755 : memref<1x256x256xf32, #tpu.memory_space<hbm>> -> memref<256x256xf32, #tpu.memory_space<hbm>>
    %dma_wait3A_757 = arith.constant 0 : i32
    %dma_wait3A_758 = tpu.memref_slice %arg3[%add3A_341, %mul3A_72, %dma_wait3A_757] : memref<512x512x256xf32, #tpu.memory_space<hbm>> -> memref<1x256x256xf32, #tpu.memory_space<hbm>>
    %dma_wait3A_759 = tpu.memref_squeeze %dma_wait3A_758 : memref<1x256x256xf32, #tpu.memory_space<hbm>> -> memref<256x256xf32, #tpu.memory_space<hbm>>
    %dma_wait3A_760 = arith.constant 104 : i32
    %dma_wait3A_761 = arith.constant 0 : i32
    %dma_wait3A_762 = tpu.memref_slice %arg4[%dma_wait3A_760, %dma_wait3A_761] : memref<504x256xf32, #tpu.memory_space<vmem>> -> memref<256x256xf32, #tpu.memory_space<vmem>>
    tpu.wait_dma2 semaphore(%arg5 : memref<!tpu.dma_semaphore, #tpu.memory_space<semaphore_mem>>) src(%dma_wait3A_762 : memref<256x256xf32, #tpu.memory_space<vmem>>) dst(%dma_wait3A_759 : memref<256x256xf32, #tpu.memory_space<hbm>>)
    %dma_wait3A_763 = arith.constant 96 : i32
    %dma_wait3A_764 = arith.constant 0 : i32
    %dma_wait3A_765 = tpu.memref_slice %arg4[%dma_wait3A_763, %dma_wait3A_764] : memref<504x256xf32, #tpu.memory_space<vmem>> -> memref<256x256xf32, #tpu.memory_space<vmem>>
    %dma_wait3A_766 = arith.constant 0 : i32
    %dma_wait3A_767 = tpu.memref_slice %arg3[%add3A_355, %mul3A_72, %dma_wait3A_766] : memref<512x512x256xf32, #tpu.memory_space<hbm>> -> memref<1x256x256xf32, #tpu.memory_space<hbm>>
    %dma_wait3A_768 = tpu.memref_squeeze %dma_wait3A_767 : memref<1x256x256xf32, #tpu.memory_space<hbm>> -> memref<256x256xf32, #tpu.memory_space<hbm>>
    %dma_wait3A_769 = arith.constant 0 : i32
    %dma_wait3A_770 = tpu.memref_slice %arg3[%add3A_355, %mul3A_72, %dma_wait3A_769] : memref<512x512x256xf32, #tpu.memory_space<hbm>> -> memref<1x256x256xf32, #tpu.memory_space<hbm>>
    %dma_wait3A_771 = tpu.memref_squeeze %dma_wait3A_770 : memref<1x256x256xf32, #tpu.memory_space<hbm>> -> memref<256x256xf32, #tpu.memory_space<hbm>>
    %dma_wait3A_772 = arith.constant 96 : i32
    %dma_wait3A_773 = arith.constant 0 : i32
    %dma_wait3A_774 = tpu.memref_slice %arg4[%dma_wait3A_772, %dma_wait3A_773] : memref<504x256xf32, #tpu.memory_space<vmem>> -> memref<256x256xf32, #tpu.memory_space<vmem>>
    tpu.wait_dma2 semaphore(%arg5 : memref<!tpu.dma_semaphore, #tpu.memory_space<semaphore_mem>>) src(%dma_wait3A_774 : memref<256x256xf32, #tpu.memory_space<vmem>>) dst(%dma_wait3A_771 : memref<256x256xf32, #tpu.memory_space<hbm>>)
    %dma_wait3A_775 = arith.constant 88 : i32
    %dma_wait3A_776 = arith.constant 0 : i32
    %dma_wait3A_777 = tpu.memref_slice %arg4[%dma_wait3A_775, %dma_wait3A_776] : memref<504x256xf32, #tpu.memory_space<vmem>> -> memref<256x256xf32, #tpu.memory_space<vmem>>
    %dma_wait3A_778 = arith.constant 0 : i32
    %dma_wait3A_779 = tpu.memref_slice %arg3[%add3A_369, %mul3A_72, %dma_wait3A_778] : memref<512x512x256xf32, #tpu.memory_space<hbm>> -> memref<1x256x256xf32, #tpu.memory_space<hbm>>
    %dma_wait3A_780 = tpu.memref_squeeze %dma_wait3A_779 : memref<1x256x256xf32, #tpu.memory_space<hbm>> -> memref<256x256xf32, #tpu.memory_space<hbm>>
    %dma_wait3A_781 = arith.constant 0 : i32
    %dma_wait3A_782 = tpu.memref_slice %arg3[%add3A_369, %mul3A_72, %dma_wait3A_781] : memref<512x512x256xf32, #tpu.memory_space<hbm>> -> memref<1x256x256xf32, #tpu.memory_space<hbm>>
    %dma_wait3A_783 = tpu.memref_squeeze %dma_wait3A_782 : memref<1x256x256xf32, #tpu.memory_space<hbm>> -> memref<256x256xf32, #tpu.memory_space<hbm>>
    %dma_wait3A_784 = arith.constant 88 : i32
    %dma_wait3A_785 = arith.constant 0 : i32
    %dma_wait3A_786 = tpu.memref_slice %arg4[%dma_wait3A_784, %dma_wait3A_785] : memref<504x256xf32, #tpu.memory_space<vmem>> -> memref<256x256xf32, #tpu.memory_space<vmem>>
    tpu.wait_dma2 semaphore(%arg5 : memref<!tpu.dma_semaphore, #tpu.memory_space<semaphore_mem>>) src(%dma_wait3A_786 : memref<256x256xf32, #tpu.memory_space<vmem>>) dst(%dma_wait3A_783 : memref<256x256xf32, #tpu.memory_space<hbm>>)
    %dma_wait3A_787 = arith.constant 80 : i32
    %dma_wait3A_788 = arith.constant 0 : i32
    %dma_wait3A_789 = tpu.memref_slice %arg4[%dma_wait3A_787, %dma_wait3A_788] : memref<504x256xf32, #tpu.memory_space<vmem>> -> memref<256x256xf32, #tpu.memory_space<vmem>>
    %dma_wait3A_790 = arith.constant 0 : i32
    %dma_wait3A_791 = tpu.memref_slice %arg3[%add3A_383, %mul3A_72, %dma_wait3A_790] : memref<512x512x256xf32, #tpu.memory_space<hbm>> -> memref<1x256x256xf32, #tpu.memory_space<hbm>>
    %dma_wait3A_792 = tpu.memref_squeeze %dma_wait3A_791 : memref<1x256x256xf32, #tpu.memory_space<hbm>> -> memref<256x256xf32, #tpu.memory_space<hbm>>
    %dma_wait3A_793 = arith.constant 0 : i32
    %dma_wait3A_794 = tpu.memref_slice %arg3[%add3A_383, %mul3A_72, %dma_wait3A_793] : memref<512x512x256xf32, #tpu.memory_space<hbm>> -> memref<1x256x256xf32, #tpu.memory_space<hbm>>
    %dma_wait3A_795 = tpu.memref_squeeze %dma_wait3A_794 : memref<1x256x256xf32, #tpu.memory_space<hbm>> -> memref<256x256xf32, #tpu.memory_space<hbm>>
    %dma_wait3A_796 = arith.constant 80 : i32
    %dma_wait3A_797 = arith.constant 0 : i32
    %dma_wait3A_798 = tpu.memref_slice %arg4[%dma_wait3A_796, %dma_wait3A_797] : memref<504x256xf32, #tpu.memory_space<vmem>> -> memref<256x256xf32, #tpu.memory_space<vmem>>
    tpu.wait_dma2 semaphore(%arg5 : memref<!tpu.dma_semaphore, #tpu.memory_space<semaphore_mem>>) src(%dma_wait3A_798 : memref<256x256xf32, #tpu.memory_space<vmem>>) dst(%dma_wait3A_795 : memref<256x256xf32, #tpu.memory_space<hbm>>)
    %dma_wait3A_799 = arith.constant 72 : i32
    %dma_wait3A_800 = arith.constant 0 : i32
    %dma_wait3A_801 = tpu.memref_slice %arg4[%dma_wait3A_799, %dma_wait3A_800] : memref<504x256xf32, #tpu.memory_space<vmem>> -> memref<256x256xf32, #tpu.memory_space<vmem>>
    %dma_wait3A_802 = arith.constant 0 : i32
    %dma_wait3A_803 = tpu.memref_slice %arg3[%add3A_397, %mul3A_72, %dma_wait3A_802] : memref<512x512x256xf32, #tpu.memory_space<hbm>> -> memref<1x256x256xf32, #tpu.memory_space<hbm>>
    %dma_wait3A_804 = tpu.memref_squeeze %dma_wait3A_803 : memref<1x256x256xf32, #tpu.memory_space<hbm>> -> memref<256x256xf32, #tpu.memory_space<hbm>>
    %dma_wait3A_805 = arith.constant 0 : i32
    %dma_wait3A_806 = tpu.memref_slice %arg3[%add3A_397, %mul3A_72, %dma_wait3A_805] : memref<512x512x256xf32, #tpu.memory_space<hbm>> -> memref<1x256x256xf32, #tpu.memory_space<hbm>>
    %dma_wait3A_807 = tpu.memref_squeeze %dma_wait3A_806 : memref<1x256x256xf32, #tpu.memory_space<hbm>> -> memref<256x256xf32, #tpu.memory_space<hbm>>
    %dma_wait3A_808 = arith.constant 72 : i32
    %dma_wait3A_809 = arith.constant 0 : i32
    %dma_wait3A_810 = tpu.memref_slice %arg4[%dma_wait3A_808, %dma_wait3A_809] : memref<504x256xf32, #tpu.memory_space<vmem>> -> memref<256x256xf32, #tpu.memory_space<vmem>>
    tpu.wait_dma2 semaphore(%arg5 : memref<!tpu.dma_semaphore, #tpu.memory_space<semaphore_mem>>) src(%dma_wait3A_810 : memref<256x256xf32, #tpu.memory_space<vmem>>) dst(%dma_wait3A_807 : memref<256x256xf32, #tpu.memory_space<hbm>>)
    %dma_wait3A_811 = arith.constant 64 : i32
    %dma_wait3A_812 = arith.constant 0 : i32
    %dma_wait3A_813 = tpu.memref_slice %arg4[%dma_wait3A_811, %dma_wait3A_812] : memref<504x256xf32, #tpu.memory_space<vmem>> -> memref<256x256xf32, #tpu.memory_space<vmem>>
    %dma_wait3A_814 = arith.constant 0 : i32
    %dma_wait3A_815 = tpu.memref_slice %arg3[%add3A_411, %mul3A_72, %dma_wait3A_814] : memref<512x512x256xf32, #tpu.memory_space<hbm>> -> memref<1x256x256xf32, #tpu.memory_space<hbm>>
    %dma_wait3A_816 = tpu.memref_squeeze %dma_wait3A_815 : memref<1x256x256xf32, #tpu.memory_space<hbm>> -> memref<256x256xf32, #tpu.memory_space<hbm>>
    %dma_wait3A_817 = arith.constant 0 : i32
    %dma_wait3A_818 = tpu.memref_slice %arg3[%add3A_411, %mul3A_72, %dma_wait3A_817] : memref<512x512x256xf32, #tpu.memory_space<hbm>> -> memref<1x256x256xf32, #tpu.memory_space<hbm>>
    %dma_wait3A_819 = tpu.memref_squeeze %dma_wait3A_818 : memref<1x256x256xf32, #tpu.memory_space<hbm>> -> memref<256x256xf32, #tpu.memory_space<hbm>>
    %dma_wait3A_820 = arith.constant 64 : i32
    %dma_wait3A_821 = arith.constant 0 : i32
    %dma_wait3A_822 = tpu.memref_slice %arg4[%dma_wait3A_820, %dma_wait3A_821] : memref<504x256xf32, #tpu.memory_space<vmem>> -> memref<256x256xf32, #tpu.memory_space<vmem>>
    tpu.wait_dma2 semaphore(%arg5 : memref<!tpu.dma_semaphore, #tpu.memory_space<semaphore_mem>>) src(%dma_wait3A_822 : memref<256x256xf32, #tpu.memory_space<vmem>>) dst(%dma_wait3A_819 : memref<256x256xf32, #tpu.memory_space<hbm>>)
    %dma_wait3A_823 = arith.constant 56 : i32
    %dma_wait3A_824 = arith.constant 0 : i32
    %dma_wait3A_825 = tpu.memref_slice %arg4[%dma_wait3A_823, %dma_wait3A_824] : memref<504x256xf32, #tpu.memory_space<vmem>> -> memref<256x256xf32, #tpu.memory_space<vmem>>
    %dma_wait3A_826 = arith.constant 0 : i32
    %dma_wait3A_827 = tpu.memref_slice %arg3[%add3A_425, %mul3A_72, %dma_wait3A_826] : memref<512x512x256xf32, #tpu.memory_space<hbm>> -> memref<1x256x256xf32, #tpu.memory_space<hbm>>
    %dma_wait3A_828 = tpu.memref_squeeze %dma_wait3A_827 : memref<1x256x256xf32, #tpu.memory_space<hbm>> -> memref<256x256xf32, #tpu.memory_space<hbm>>
    %dma_wait3A_829 = arith.constant 0 : i32
    %dma_wait3A_830 = tpu.memref_slice %arg3[%add3A_425, %mul3A_72, %dma_wait3A_829] : memref<512x512x256xf32, #tpu.memory_space<hbm>> -> memref<1x256x256xf32, #tpu.memory_space<hbm>>
    %dma_wait3A_831 = tpu.memref_squeeze %dma_wait3A_830 : memref<1x256x256xf32, #tpu.memory_space<hbm>> -> memref<256x256xf32, #tpu.memory_space<hbm>>
    %dma_wait3A_832 = arith.constant 56 : i32
    %dma_wait3A_833 = arith.constant 0 : i32
    %dma_wait3A_834 = tpu.memref_slice %arg4[%dma_wait3A_832, %dma_wait3A_833] : memref<504x256xf32, #tpu.memory_space<vmem>> -> memref<256x256xf32, #tpu.memory_space<vmem>>
    tpu.wait_dma2 semaphore(%arg5 : memref<!tpu.dma_semaphore, #tpu.memory_space<semaphore_mem>>) src(%dma_wait3A_834 : memref<256x256xf32, #tpu.memory_space<vmem>>) dst(%dma_wait3A_831 : memref<256x256xf32, #tpu.memory_space<hbm>>)
    %dma_wait3A_835 = arith.constant 48 : i32
    %dma_wait3A_836 = arith.constant 0 : i32
    %dma_wait3A_837 = tpu.memref_slice %arg4[%dma_wait3A_835, %dma_wait3A_836] : memref<504x256xf32, #tpu.memory_space<vmem>> -> memref<256x256xf32, #tpu.memory_space<vmem>>
    %dma_wait3A_838 = arith.constant 0 : i32
    %dma_wait3A_839 = tpu.memref_slice %arg3[%add3A_439, %mul3A_72, %dma_wait3A_838] : memref<512x512x256xf32, #tpu.memory_space<hbm>> -> memref<1x256x256xf32, #tpu.memory_space<hbm>>
    %dma_wait3A_840 = tpu.memref_squeeze %dma_wait3A_839 : memref<1x256x256xf32, #tpu.memory_space<hbm>> -> memref<256x256xf32, #tpu.memory_space<hbm>>
    %dma_wait3A_841 = arith.constant 0 : i32
    %dma_wait3A_842 = tpu.memref_slice %arg3[%add3A_439, %mul3A_72, %dma_wait3A_841] : memref<512x512x256xf32, #tpu.memory_space<hbm>> -> memref<1x256x256xf32, #tpu.memory_space<hbm>>
    %dma_wait3A_843 = tpu.memref_squeeze %dma_wait3A_842 : memref<1x256x256xf32, #tpu.memory_space<hbm>> -> memref<256x256xf32, #tpu.memory_space<hbm>>
    %dma_wait3A_844 = arith.constant 48 : i32
    %dma_wait3A_845 = arith.constant 0 : i32
    %dma_wait3A_846 = tpu.memref_slice %arg4[%dma_wait3A_844, %dma_wait3A_845] : memref<504x256xf32, #tpu.memory_space<vmem>> -> memref<256x256xf32, #tpu.memory_space<vmem>>
    tpu.wait_dma2 semaphore(%arg5 : memref<!tpu.dma_semaphore, #tpu.memory_space<semaphore_mem>>) src(%dma_wait3A_846 : memref<256x256xf32, #tpu.memory_space<vmem>>) dst(%dma_wait3A_843 : memref<256x256xf32, #tpu.memory_space<hbm>>)
    %dma_wait3A_847 = arith.constant 40 : i32
    %dma_wait3A_848 = arith.constant 0 : i32
    %dma_wait3A_849 = tpu.memref_slice %arg4[%dma_wait3A_847, %dma_wait3A_848] : memref<504x256xf32, #tpu.memory_space<vmem>> -> memref<256x256xf32, #tpu.memory_space<vmem>>
    %dma_wait3A_850 = arith.constant 0 : i32
    %dma_wait3A_851 = tpu.memref_slice %arg3[%add3A_453, %mul3A_72, %dma_wait3A_850] : memref<512x512x256xf32, #tpu.memory_space<hbm>> -> memref<1x256x256xf32, #tpu.memory_space<hbm>>
    %dma_wait3A_852 = tpu.memref_squeeze %dma_wait3A_851 : memref<1x256x256xf32, #tpu.memory_space<hbm>> -> memref<256x256xf32, #tpu.memory_space<hbm>>
    %dma_wait3A_853 = arith.constant 0 : i32
    %dma_wait3A_854 = tpu.memref_slice %arg3[%add3A_453, %mul3A_72, %dma_wait3A_853] : memref<512x512x256xf32, #tpu.memory_space<hbm>> -> memref<1x256x256xf32, #tpu.memory_space<hbm>>
    %dma_wait3A_855 = tpu.memref_squeeze %dma_wait3A_854 : memref<1x256x256xf32, #tpu.memory_space<hbm>> -> memref<256x256xf32, #tpu.memory_space<hbm>>
    %dma_wait3A_856 = arith.constant 40 : i32
    %dma_wait3A_857 = arith.constant 0 : i32
    %dma_wait3A_858 = tpu.memref_slice %arg4[%dma_wait3A_856, %dma_wait3A_857] : memref<504x256xf32, #tpu.memory_space<vmem>> -> memref<256x256xf32, #tpu.memory_space<vmem>>
    tpu.wait_dma2 semaphore(%arg5 : memref<!tpu.dma_semaphore, #tpu.memory_space<semaphore_mem>>) src(%dma_wait3A_858 : memref<256x256xf32, #tpu.memory_space<vmem>>) dst(%dma_wait3A_855 : memref<256x256xf32, #tpu.memory_space<hbm>>)
    %dma_wait3A_859 = arith.constant 32 : i32
    %dma_wait3A_860 = arith.constant 0 : i32
    %dma_wait3A_861 = tpu.memref_slice %arg4[%dma_wait3A_859, %dma_wait3A_860] : memref<504x256xf32, #tpu.memory_space<vmem>> -> memref<256x256xf32, #tpu.memory_space<vmem>>
    %dma_wait3A_862 = arith.constant 0 : i32
    %dma_wait3A_863 = tpu.memref_slice %arg3[%add3A_467, %mul3A_72, %dma_wait3A_862] : memref<512x512x256xf32, #tpu.memory_space<hbm>> -> memref<1x256x256xf32, #tpu.memory_space<hbm>>
    %dma_wait3A_864 = tpu.memref_squeeze %dma_wait3A_863 : memref<1x256x256xf32, #tpu.memory_space<hbm>> -> memref<256x256xf32, #tpu.memory_space<hbm>>
    %dma_wait3A_865 = arith.constant 0 : i32
    %dma_wait3A_866 = tpu.memref_slice %arg3[%add3A_467, %mul3A_72, %dma_wait3A_865] : memref<512x512x256xf32, #tpu.memory_space<hbm>> -> memref<1x256x256xf32, #tpu.memory_space<hbm>>
    %dma_wait3A_867 = tpu.memref_squeeze %dma_wait3A_866 : memref<1x256x256xf32, #tpu.memory_space<hbm>> -> memref<256x256xf32, #tpu.memory_space<hbm>>
    %dma_wait3A_868 = arith.constant 32 : i32
    %dma_wait3A_869 = arith.constant 0 : i32
    %dma_wait3A_870 = tpu.memref_slice %arg4[%dma_wait3A_868, %dma_wait3A_869] : memref<504x256xf32, #tpu.memory_space<vmem>> -> memref<256x256xf32, #tpu.memory_space<vmem>>
    tpu.wait_dma2 semaphore(%arg5 : memref<!tpu.dma_semaphore, #tpu.memory_space<semaphore_mem>>) src(%dma_wait3A_870 : memref<256x256xf32, #tpu.memory_space<vmem>>) dst(%dma_wait3A_867 : memref<256x256xf32, #tpu.memory_space<hbm>>)
    %dma_wait3A_871 = arith.constant 24 : i32
    %dma_wait3A_872 = arith.constant 0 : i32
    %dma_wait3A_873 = tpu.memref_slice %arg4[%dma_wait3A_871, %dma_wait3A_872] : memref<504x256xf32, #tpu.memory_space<vmem>> -> memref<256x256xf32, #tpu.memory_space<vmem>>
    %dma_wait3A_874 = arith.constant 0 : i32
    %dma_wait3A_875 = tpu.memref_slice %arg3[%add3A_481, %mul3A_72, %dma_wait3A_874] : memref<512x512x256xf32, #tpu.memory_space<hbm>> -> memref<1x256x256xf32, #tpu.memory_space<hbm>>
    %dma_wait3A_876 = tpu.memref_squeeze %dma_wait3A_875 : memref<1x256x256xf32, #tpu.memory_space<hbm>> -> memref<256x256xf32, #tpu.memory_space<hbm>>
    %dma_wait3A_877 = arith.constant 0 : i32
    %dma_wait3A_878 = tpu.memref_slice %arg3[%add3A_481, %mul3A_72, %dma_wait3A_877] : memref<512x512x256xf32, #tpu.memory_space<hbm>> -> memref<1x256x256xf32, #tpu.memory_space<hbm>>
    %dma_wait3A_879 = tpu.memref_squeeze %dma_wait3A_878 : memref<1x256x256xf32, #tpu.memory_space<hbm>> -> memref<256x256xf32, #tpu.memory_space<hbm>>
    %dma_wait3A_880 = arith.constant 24 : i32
    %dma_wait3A_881 = arith.constant 0 : i32
    %dma_wait3A_882 = tpu.memref_slice %arg4[%dma_wait3A_880, %dma_wait3A_881] : memref<504x256xf32, #tpu.memory_space<vmem>> -> memref<256x256xf32, #tpu.memory_space<vmem>>
    tpu.wait_dma2 semaphore(%arg5 : memref<!tpu.dma_semaphore, #tpu.memory_space<semaphore_mem>>) src(%dma_wait3A_882 : memref<256x256xf32, #tpu.memory_space<vmem>>) dst(%dma_wait3A_879 : memref<256x256xf32, #tpu.memory_space<hbm>>)
    %dma_wait3A_883 = arith.constant 16 : i32
    %dma_wait3A_884 = arith.constant 0 : i32
    %dma_wait3A_885 = tpu.memref_slice %arg4[%dma_wait3A_883, %dma_wait3A_884] : memref<504x256xf32, #tpu.memory_space<vmem>> -> memref<256x256xf32, #tpu.memory_space<vmem>>
    %dma_wait3A_886 = arith.constant 0 : i32
    %dma_wait3A_887 = tpu.memref_slice %arg3[%add3A_495, %mul3A_72, %dma_wait3A_886] : memref<512x512x256xf32, #tpu.memory_space<hbm>> -> memref<1x256x256xf32, #tpu.memory_space<hbm>>
    %dma_wait3A_888 = tpu.memref_squeeze %dma_wait3A_887 : memref<1x256x256xf32, #tpu.memory_space<hbm>> -> memref<256x256xf32, #tpu.memory_space<hbm>>
    %dma_wait3A_889 = arith.constant 0 : i32
    %dma_wait3A_890 = tpu.memref_slice %arg3[%add3A_495, %mul3A_72, %dma_wait3A_889] : memref<512x512x256xf32, #tpu.memory_space<hbm>> -> memref<1x256x256xf32, #tpu.memory_space<hbm>>
    %dma_wait3A_891 = tpu.memref_squeeze %dma_wait3A_890 : memref<1x256x256xf32, #tpu.memory_space<hbm>> -> memref<256x256xf32, #tpu.memory_space<hbm>>
    %dma_wait3A_892 = arith.constant 16 : i32
    %dma_wait3A_893 = arith.constant 0 : i32
    %dma_wait3A_894 = tpu.memref_slice %arg4[%dma_wait3A_892, %dma_wait3A_893] : memref<504x256xf32, #tpu.memory_space<vmem>> -> memref<256x256xf32, #tpu.memory_space<vmem>>
    tpu.wait_dma2 semaphore(%arg5 : memref<!tpu.dma_semaphore, #tpu.memory_space<semaphore_mem>>) src(%dma_wait3A_894 : memref<256x256xf32, #tpu.memory_space<vmem>>) dst(%dma_wait3A_891 : memref<256x256xf32, #tpu.memory_space<hbm>>)
    %dma_wait3A_895 = arith.constant 8 : i32
    %dma_wait3A_896 = arith.constant 0 : i32
    %dma_wait3A_897 = tpu.memref_slice %arg4[%dma_wait3A_895, %dma_wait3A_896] : memref<504x256xf32, #tpu.memory_space<vmem>> -> memref<256x256xf32, #tpu.memory_space<vmem>>
    %dma_wait3A_898 = arith.constant 0 : i32
    %dma_wait3A_899 = tpu.memref_slice %arg3[%add3A_509, %mul3A_72, %dma_wait3A_898] : memref<512x512x256xf32, #tpu.memory_space<hbm>> -> memref<1x256x256xf32, #tpu.memory_space<hbm>>
    %dma_wait3A_900 = tpu.memref_squeeze %dma_wait3A_899 : memref<1x256x256xf32, #tpu.memory_space<hbm>> -> memref<256x256xf32, #tpu.memory_space<hbm>>
    %dma_wait3A_901 = arith.constant 0 : i32
    %dma_wait3A_902 = tpu.memref_slice %arg3[%add3A_509, %mul3A_72, %dma_wait3A_901] : memref<512x512x256xf32, #tpu.memory_space<hbm>> -> memref<1x256x256xf32, #tpu.memory_space<hbm>>
    %dma_wait3A_903 = tpu.memref_squeeze %dma_wait3A_902 : memref<1x256x256xf32, #tpu.memory_space<hbm>> -> memref<256x256xf32, #tpu.memory_space<hbm>>
    %dma_wait3A_904 = arith.constant 8 : i32
    %dma_wait3A_905 = arith.constant 0 : i32
    %dma_wait3A_906 = tpu.memref_slice %arg4[%dma_wait3A_904, %dma_wait3A_905] : memref<504x256xf32, #tpu.memory_space<vmem>> -> memref<256x256xf32, #tpu.memory_space<vmem>>
    tpu.wait_dma2 semaphore(%arg5 : memref<!tpu.dma_semaphore, #tpu.memory_space<semaphore_mem>>) src(%dma_wait3A_906 : memref<256x256xf32, #tpu.memory_space<vmem>>) dst(%dma_wait3A_903 : memref<256x256xf32, #tpu.memory_space<hbm>>)
    %dma_wait3A_907 = arith.constant 0 : i32
    %dma_wait3A_908 = arith.constant 0 : i32
    %dma_wait3A_909 = tpu.memref_slice %arg4[%dma_wait3A_907, %dma_wait3A_908] : memref<504x256xf32, #tpu.memory_space<vmem>> -> memref<256x256xf32, #tpu.memory_space<vmem>>
    %dma_wait3A_910 = arith.constant 0 : i32
    %dma_wait3A_911 = tpu.memref_slice %arg3[%add3A_523, %mul3A_72, %dma_wait3A_910] : memref<512x512x256xf32, #tpu.memory_space<hbm>> -> memref<1x256x256xf32, #tpu.memory_space<hbm>>
    %dma_wait3A_912 = tpu.memref_squeeze %dma_wait3A_911 : memref<1x256x256xf32, #tpu.memory_space<hbm>> -> memref<256x256xf32, #tpu.memory_space<hbm>>
    %dma_wait3A_913 = arith.constant 0 : i32
    %dma_wait3A_914 = tpu.memref_slice %arg3[%add3A_523, %mul3A_72, %dma_wait3A_913] : memref<512x512x256xf32, #tpu.memory_space<hbm>> -> memref<1x256x256xf32, #tpu.memory_space<hbm>>
    %dma_wait3A_915 = tpu.memref_squeeze %dma_wait3A_914 : memref<1x256x256xf32, #tpu.memory_space<hbm>> -> memref<256x256xf32, #tpu.memory_space<hbm>>
    %dma_wait3A_916 = arith.constant 0 : i32
    %dma_wait3A_917 = arith.constant 0 : i32
    %dma_wait3A_918 = tpu.memref_slice %arg4[%dma_wait3A_916, %dma_wait3A_917] : memref<504x256xf32, #tpu.memory_space<vmem>> -> memref<256x256xf32, #tpu.memory_space<vmem>>
    tpu.wait_dma2 semaphore(%arg5 : memref<!tpu.dma_semaphore, #tpu.memory_space<semaphore_mem>>) src(%dma_wait3A_918 : memref<256x256xf32, #tpu.memory_space<vmem>>) dst(%dma_wait3A_915 : memref<256x256xf32, #tpu.memory_space<hbm>>)
    return
  }
}

module attributes {stable_mosaic.version = 14 : i64} {
  func.func @t8_body(%arg0: memref<1023x256xf32, #tpu.memory_space<vmem>>, %arg1: memref<8x1024x256xf32, #tpu.memory_space<vmem>>) attributes {dimension_semantics = [], scalar_prefetch = 0 : i64, scratch_operands = 0 : i64, tpu.core_type = #tpu.core_type<tc>} {
    %get3A = arith.constant 0 : index
    %get3A_0 = arith.constant 0 : index
    %get3A_1 = vector.load %arg0[%get3A, %get3A_0] : memref<1023x256xf32, #tpu.memory_space<vmem>>, vector<1023x256xf32>
    %slice3A = vector.extract_strided_slice %get3A_1 {offsets = [1022, 0], sizes = [1, 256], strides = [1, 1]} : vector<1023x256xf32> to vector<1x256xf32>
    %concatenate3A = tpu.concatenate %get3A_1, %slice3A in 0 : vector<1023x256xf32>, vector<1x256xf32> -> vector<1024x256xf32>
    %roll3A = arith.constant 0 : i32
    %roll3A_2 = tpu.dynamic_rotate %concatenate3A by %roll3A dim 0 : vector<1024x256xf32>, i32 -> vector<1024x256xf32>
    %swap3A = arith.constant 0 : index
    %swap3A_3 = arith.constant 0 : index
    %swap3A_4 = arith.constant 0 : index
    %swap3A_5 = vector.load %arg1[%swap3A, %swap3A_3, %swap3A_4] : memref<8x1024x256xf32, #tpu.memory_space<vmem>>, vector<1x1024x256xf32>
    %swap3A_6 = vector.shape_cast %swap3A_5 : vector<1x1024x256xf32> to vector<1024x256xf32>
    %swap3A_7 = vector.shape_cast %roll3A_2 : vector<1024x256xf32> to vector<1x1024x256xf32>
    tpu.vector_store %arg1[%swap3A, %swap3A_3, %swap3A_4], %swap3A_7 {strides = array<i32>} : memref<8x1024x256xf32, #tpu.memory_space<vmem>>, vector<1x1024x256xf32>,
    %roll3A_8 = arith.constant 1023 : i32
    %roll3A_9 = tpu.dynamic_rotate %concatenate3A by %roll3A_8 dim 0 : vector<1024x256xf32>, i32 -> vector<1024x256xf32>
    %swap3A_10 = arith.constant 1 : index
    %swap3A_11 = arith.constant 0 : index
    %swap3A_12 = arith.constant 0 : index
    %swap3A_13 = vector.load %arg1[%swap3A_10, %swap3A_11, %swap3A_12] : memref<8x1024x256xf32, #tpu.memory_space<vmem>>, vector<1x1024x256xf32>
    %swap3A_14 = vector.shape_cast %swap3A_13 : vector<1x1024x256xf32> to vector<1024x256xf32>
    %swap3A_15 = vector.shape_cast %roll3A_9 : vector<1024x256xf32> to vector<1x1024x256xf32>
    tpu.vector_store %arg1[%swap3A_10, %swap3A_11, %swap3A_12], %swap3A_15 {strides = array<i32>} : memref<8x1024x256xf32, #tpu.memory_space<vmem>>, vector<1x1024x256xf32>,
    %roll3A_16 = arith.constant 1022 : i32
    %roll3A_17 = tpu.dynamic_rotate %concatenate3A by %roll3A_16 dim 0 : vector<1024x256xf32>, i32 -> vector<1024x256xf32>
    %swap3A_18 = arith.constant 2 : index
    %swap3A_19 = arith.constant 0 : index
    %swap3A_20 = arith.constant 0 : index
    %swap3A_21 = vector.load %arg1[%swap3A_18, %swap3A_19, %swap3A_20] : memref<8x1024x256xf32, #tpu.memory_space<vmem>>, vector<1x1024x256xf32>
    %swap3A_22 = vector.shape_cast %swap3A_21 : vector<1x1024x256xf32> to vector<1024x256xf32>
    %swap3A_23 = vector.shape_cast %roll3A_17 : vector<1024x256xf32> to vector<1x1024x256xf32>
    tpu.vector_store %arg1[%swap3A_18, %swap3A_19, %swap3A_20], %swap3A_23 {strides = array<i32>} : memref<8x1024x256xf32, #tpu.memory_space<vmem>>, vector<1x1024x256xf32>,
    %roll3A_24 = arith.constant 1021 : i32
    %roll3A_25 = tpu.dynamic_rotate %concatenate3A by %roll3A_24 dim 0 : vector<1024x256xf32>, i32 -> vector<1024x256xf32>
    %swap3A_26 = arith.constant 3 : index
    %swap3A_27 = arith.constant 0 : index
    %swap3A_28 = arith.constant 0 : index
    %swap3A_29 = vector.load %arg1[%swap3A_26, %swap3A_27, %swap3A_28] : memref<8x1024x256xf32, #tpu.memory_space<vmem>>, vector<1x1024x256xf32>
    %swap3A_30 = vector.shape_cast %swap3A_29 : vector<1x1024x256xf32> to vector<1024x256xf32>
    %swap3A_31 = vector.shape_cast %roll3A_25 : vector<1024x256xf32> to vector<1x1024x256xf32>
    tpu.vector_store %arg1[%swap3A_26, %swap3A_27, %swap3A_28], %swap3A_31 {strides = array<i32>} : memref<8x1024x256xf32, #tpu.memory_space<vmem>>, vector<1x1024x256xf32>,
    %roll3A_32 = arith.constant 1020 : i32
    %roll3A_33 = tpu.dynamic_rotate %concatenate3A by %roll3A_32 dim 0 : vector<1024x256xf32>, i32 -> vector<1024x256xf32>
    %swap3A_34 = arith.constant 4 : index
    %swap3A_35 = arith.constant 0 : index
    %swap3A_36 = arith.constant 0 : index
    %swap3A_37 = vector.load %arg1[%swap3A_34, %swap3A_35, %swap3A_36] : memref<8x1024x256xf32, #tpu.memory_space<vmem>>, vector<1x1024x256xf32>
    %swap3A_38 = vector.shape_cast %swap3A_37 : vector<1x1024x256xf32> to vector<1024x256xf32>
    %swap3A_39 = vector.shape_cast %roll3A_33 : vector<1024x256xf32> to vector<1x1024x256xf32>
    tpu.vector_store %arg1[%swap3A_34, %swap3A_35, %swap3A_36], %swap3A_39 {strides = array<i32>} : memref<8x1024x256xf32, #tpu.memory_space<vmem>>, vector<1x1024x256xf32>,
    %roll3A_40 = arith.constant 1019 : i32
    %roll3A_41 = tpu.dynamic_rotate %concatenate3A by %roll3A_40 dim 0 : vector<1024x256xf32>, i32 -> vector<1024x256xf32>
    %swap3A_42 = arith.constant 5 : index
    %swap3A_43 = arith.constant 0 : index
    %swap3A_44 = arith.constant 0 : index
    %swap3A_45 = vector.load %arg1[%swap3A_42, %swap3A_43, %swap3A_44] : memref<8x1024x256xf32, #tpu.memory_space<vmem>>, vector<1x1024x256xf32>
    %swap3A_46 = vector.shape_cast %swap3A_45 : vector<1x1024x256xf32> to vector<1024x256xf32>
    %swap3A_47 = vector.shape_cast %roll3A_41 : vector<1024x256xf32> to vector<1x1024x256xf32>
    tpu.vector_store %arg1[%swap3A_42, %swap3A_43, %swap3A_44], %swap3A_47 {strides = array<i32>} : memref<8x1024x256xf32, #tpu.memory_space<vmem>>, vector<1x1024x256xf32>,
    %roll3A_48 = arith.constant 1018 : i32
    %roll3A_49 = tpu.dynamic_rotate %concatenate3A by %roll3A_48 dim 0 : vector<1024x256xf32>, i32 -> vector<1024x256xf32>
    %swap3A_50 = arith.constant 6 : index
    %swap3A_51 = arith.constant 0 : index
    %swap3A_52 = arith.constant 0 : index
    %swap3A_53 = vector.load %arg1[%swap3A_50, %swap3A_51, %swap3A_52] : memref<8x1024x256xf32, #tpu.memory_space<vmem>>, vector<1x1024x256xf32>
    %swap3A_54 = vector.shape_cast %swap3A_53 : vector<1x1024x256xf32> to vector<1024x256xf32>
    %swap3A_55 = vector.shape_cast %roll3A_49 : vector<1024x256xf32> to vector<1x1024x256xf32>
    tpu.vector_store %arg1[%swap3A_50, %swap3A_51, %swap3A_52], %swap3A_55 {strides = array<i32>} : memref<8x1024x256xf32, #tpu.memory_space<vmem>>, vector<1x1024x256xf32>,
    %roll3A_56 = arith.constant 1017 : i32
    %roll3A_57 = tpu.dynamic_rotate %concatenate3A by %roll3A_56 dim 0 : vector<1024x256xf32>, i32 -> vector<1024x256xf32>
    %swap3A_58 = arith.constant 7 : index
    %swap3A_59 = arith.constant 0 : index
    %swap3A_60 = arith.constant 0 : index
    %swap3A_61 = vector.load %arg1[%swap3A_58, %swap3A_59, %swap3A_60] : memref<8x1024x256xf32, #tpu.memory_space<vmem>>, vector<1x1024x256xf32>
    %swap3A_62 = vector.shape_cast %swap3A_61 : vector<1x1024x256xf32> to vector<1024x256xf32>
    %swap3A_63 = vector.shape_cast %roll3A_57 : vector<1024x256xf32> to vector<1x1024x256xf32>
    tpu.vector_store %arg1[%swap3A_58, %swap3A_59, %swap3A_60], %swap3A_63 {strides = array<i32>} : memref<8x1024x256xf32, #tpu.memory_space<vmem>>, vector<1x1024x256xf32>,
    return
  }
}

</mosaic_0001>

<sc_bundles>
// kernel: kernel.4.cloned.1.call-start
scs
__scs_entry_jumppad:
0x0: {  	(pc) =	sbr.rel $0x88, $3  }
0x1: {  	(tag) =	ssettag $0x0;
	lr =	simm.s32 $0x1  }
0x2: {  	[smem:$0x3FA0] =	sst lr;
	_ =	strace $0xD0000000  }
0x3: {  	_ = 	snop  }
0x4: {  	_ = 	snop  }
0x5: {  	_ = 	snop  }
0x6: {  	_ = 	snop  }
0x7: {  	_ = 	snop  }
__scs_overlays_trampoline_lowered:
0x8: {  	[smem:$0x3FAF] =	sst s0  }
0x9: {  	[smem:$0x3FB0] =	sst s1  }
0xa: {  	[smem:$0x3FB1] =	sst s2  }
0xb: {  	[smem:$0x3FB2] =	sst s3  }
0xc: {  	[smem:$0x3FB3] =	sst s4  }
0xd: {  	[smem:$0x3FB4] =	sst s5  }
0xe: {  	[smem:$0x3FB5] =	sst s6  }
0xf: {  	[smem:$0x3FB6] =	sst s7  }
0x10: {  	[smem:$0x3FB7] =	sst s8  }
0x11: {  	[smem:$0x3FB8] =	sst s9;
	s0 =	simm.s32 @!p0 $0x0  }
0x12: {  	s1 =	sld [smem:$0x3F9E];
	s0 =	simm.s32 @p0 $0x1  }
0x13: {  	[smem:$0x3FB9] =	sst s0;
	s0 =	simm.s32 @!p1 $0x0  }
0x14: {  	s2 =	sld [smem:$0x3F9D];
	s0 =	simm.s32 @p1 $0x1  }
0x15: {  	[smem:$0x3FBA] =	sst s0;
	s0 =	simm.s32 @!p2 $0x0  }
0x16: {  	s3 =	sld [smem:$0x3FDB];
	s0 =	simm.s32 @p2 $0x1  }
0x17: {  	s4 =	simm.s32 $0x1BF5;
	[smem:$0x3FBC] =	sst s0  }
0x18: {  	s0 =	sld [smem:$0x3F9F];
	_ =	swait.ge [sflag:s4], $0x0  }
0x19: {  	s7 =	sld [smem:$0x3FA0]  }
0x1a: {  	s8 =	sadd.s32 $0xFFFFE003, lr  }
0x1b: {  	s9 =	sadd.s32 $0xFFFFFEF7, lr;
	s5 =	simm.s32 $0xFFFFFFFF;
	p2 =	slt.u32 s8, $0xFFFFF086  }
0x1c: {  	p1 =	slt.u32 s9, $0xF7A;
	s5 =	simm.s32 @!p2 $0x0  }
0x1d: {  	s5 =	simm.s32 @p1 $0x1;
	p0 =	seq.s32 s7, s2  }
0x1e: {  	s7 =	smul.u32 @!p0 $0xF7A, s2;
	p2 =	seq.s32 @!p0 s5, $0x0  }
0x1f: {  	s9 =	smul.u32 $0xF7A, s1;
	s8 =	simm.s32 @!p0 $0x1BF5;
	p2 =	por !p2, p0  }
0x20: {  	[sflag:s8] =	ssyncset.s32 @!p0 $0xFFFFF086;
	s6 =	sadd.s32 @!p0 s3, s7;
	s7 =	simm.s32 @!p0 $0x108  }
0x21: {  	s3 =	sadd.s32 s3, s9;
	s6 =	sadd.s32 @!p0 $0x88, s6;
	s7 =	simm.s32 @p2 $0x1082  }
0x22: {  	[simem:s7], [sflag:s8] =	dma.local @!p0 [hbm:s6], $0xF7A  }
0x23: {  	s9 =	sor.u32 $0xD0000000, s2;
	s6 =	simm.s32 $0x108;
	_ =	swait.ge @!p0 [sflag:s8], $0x0  }
0x24: {  	s3 =	sadd.s32 $0x88, s3;
	s6 =	simm.s32 @!p1 $0x1082;
	[sflag:s4] =	ssyncset.s32 $0xFFFFF086  }
0x25: {  	[simem:s6], [sflag:s4] =	dma.local [hbm:s3], $0xF7A  }
0x26: {  	[smem:$0x3FA0] =	sst s1;
	(tag) =	ssettag s2;
	_ =	strace s9  }
0x27: {  	s1 =	sld [smem:$0x3FB0]  }
0x28: {  	s2 =	sld [smem:$0x3FB1]  }
0x29: {  	s4 =	sld [smem:$0x3FB3]  }
0x2a: {  	p0 =	seq.s32 s5, $0x0;
	s5 =	sld [smem:$0x3FB4]  }
0x2b: {  	s6 =	sld [smem:$0x3FB5]  }
0x2c: {  	s7 =	sld [smem:$0x3FB6]  }
0x2d: {  	s3 =	simm.s32 $0x108;
	s8 =	sld [smem:$0x3FB7]  }
0x2e: {  	s3 =	simm.s32 @!p0 $0x1082;
	s9 =	sld [smem:$0x3FB8]  }
0x2f: {  	lr =	sadd.s32 s0, s3;
	s0 =	sld [smem:$0x3FAF]  }
0x30: {  	s3 =	sld [smem:$0x3FB2]  }
0x31: {  	[smem:$0x3FBB] =	sst s10  }
0x32: {  	s10 =	sld [smem:$0x3FB9];
	_ =	sdelay $0x3  }
0x33: {  	p0 =	seq.s32 s10, $0x1;
	s10 =	sld [smem:$0x3FBB];
	_ =	sdelay $0x3  }
0x34: {  	[smem:$0x3FBB] =	sst s10  }
0x35: {  	s10 =	sld [smem:$0x3FBA];
	_ =	sdelay $0x3  }
0x36: {  	p1 =	seq.s32 s10, $0x1;
	s10 =	sld [smem:$0x3FBB];
	_ =	sdelay $0x3  }
0x37: {  	[smem:$0x3FBB] =	sst s10  }
0x38: {  	s10 =	sld [smem:$0x3FBC]  }
0x39: {  	_ = 	snop;
	(pc) =	sbr.ind lr, $3  }
0x3a: {  	_ = 	snop  }
0x3b: {  	_ = 	snop  }
0x3c: {  	p2 =	seq.s32 s10, $0x1;
	s10 =	sld [smem:$0x3FBB]  }
0x3d: {  	_ =	shalt  }
0x3e: {  	_ =	shalt  }
0x3f: {  	_ =	shalt  }
0x40: {  	_ =	shalt  }
0x41: {  	_ =	shalt  }
0x42: {  	_ =	shalt  }
0x43: {  	_ =	shalt  }
0x44: {  	_ =	shalt  }
0x45: {  	_ =	shalt  }
0x46: {  	_ =	shalt  }
0x47: {  	_ =	shalt  }
0x48: {  	_ =	shalt  }
0x49: {  	_ =	shalt  }
0x4a: {  	_ =	shalt  }
0x4b: {  	_ =	shalt  }
0x4c: {  	_ =	shalt  }
0x4d: {  	_ =	shalt  }
0x4e: {  	_ =	shalt  }
0x4f: {  	_ =	shalt  }
0x50: {  	_ =	shalt  }
0x51: {  	_ =	shalt  }
0x52: {  	_ =	shalt  }
0x53: {  	_ =	shalt  }
0x54: {  	_ =	shalt  }
0x55: {  	_ =	shalt  }
0x56: {  	_ =	shalt  }
0x57: {  	_ =	shalt  }
0x58: {  	_ =	shalt  }
0x59: {  	_ =	shalt  }
0x5a: {  	_ =	shalt  }
0x5b: {  	_ =	shalt  }
0x5c: {  	_ =	shalt  }
0x5d: {  	_ =	shalt  }
0x5e: {  	_ =	shalt  }
0x5f: {  	_ =	shalt  }
0x60: {  	_ =	shalt  }
0x61: {  	_ =	shalt  }
0x62: {  	_ =	shalt  }
0x63: {  	_ =	shalt  }
0x64: {  	_ =	shalt  }
0x65: {  	_ =	shalt  }
0x66: {  	_ =	shalt  }
0x67: {  	_ =	shalt  }
0x68: {  	_ =	shalt  }
0x69: {  	_ =	shalt  }
0x6a: {  	_ =	shalt  }
0x6b: {  	_ =	shalt  }
0x6c: {  	_ =	shalt  }
0x6d: {  	_ =	shalt  }
0x6e: {  	_ =	shalt  }
0x6f: {  	_ =	shalt  }
0x70: {  	_ =	shalt  }
0x71: {  	_ =	shalt  }
0x72: {  	_ =	shalt  }
0x73: {  	_ =	shalt  }
0x74: {  	_ =	shalt  }
0x75: {  	_ =	shalt  }
0x76: {  	_ =	shalt  }
0x77: {  	_ =	shalt  }
0x78: {  	_ =	shalt  }
0x79: {  	_ =	shalt  }
0x7a: {  	_ =	shalt  }
0x7b: {  	_ =	shalt  }
0x7c: {  	_ =	shalt  }
0x7d: {  	_ =	shalt  }
0x7e: {  	_ =	shalt  }
0x7f: {  	_ =	shalt  }
0x80: {  	_ =	shalt  }
0x81: {  	_ =	shalt  }
0x82: {  	_ =	shalt  }
0x83: {  	_ =	shalt  }
0x84: {  	_ =	shalt  }
0x85: {  	_ =	shalt  }
0x86: {  	_ =	shalt  }
0x87: {  	_ =	shalt  }
.Lfunc_end0:
.L_simem_size_0:
called_computation_lowered:
.L_overlay_start_0:
0x88: {  	s2 =	sld [smem:$0x3FD9]  }
0x89: {  	s3 =	sld [smem:$0x3FFE];
	_ =	sdelay $0x1  }
0x8a: {  	s1 =	srdreg.scid  }
0x8b: {  	s0 =	sand.u32 $0x1, s1  }
0x8c: {  	s17 =	sshll.u32 s0, $0xA;
	s2 =	sadd.s32 s3, s2  }
0x8d: {  	s2 =	sadd.s32 s2, s17  }
0x8e: {  	[smem:$0x3FC7] =	sst s2  }
0x8f: {  	_ = 	snop  }
0x90: {  	s2 =	sld [smem:$0x3FD0];
	(tm) =	ssettm $0x1  }
0x91: {  	s18 =	sld [smem:$0x3FFB];
	_ =	sdelay $0x3  }
0x92: {  	_ =	strace s18  }
0x93: {  	s3 =	sld [smem:$0x3FFC];
	_ =	sdelay $0x3  }
0x94: {  	_ =	strace s3  }
0x95: {  	s3 =	sld [smem:$0x3FFD];
	_ =	sdelay $0x3  }
0x96: {  	_ =	strace s3  }
0x97: {  	_ =	strace $0x8FFFFFFF  }
0x98: {  	s19 =	sld [smem:$0x3FDB];
	_ =	sdelay $0x1  }
0x99: {  	s4 =	simm.s32 $_scs_section_size  }
0x9a: {  	s5 =	simm.s32 $_size__tile_overlayer_lowered;
	s6 =	simm.s32 $_tile_overlayer_lowered  }
0x9b: {  	s22 =	simm.s32 $0x1BFF;
	s21 =	sshll.u32 s6, $0x1;
	s3 =	sadd.s32 s4, s19  }
0x9c: {  	s7 =	simm.s32 $0x0;
	s20 =	sshll.u32 s5, $0x1;
	s5 =	sadd.s32 s21, s3  }
0x9d: {  	[timem:s7], [sflag:s22] =	dma.local [hbm:s5], s20  }
0x9e: {  	_ =	swait.ge [sflag:s22], s20  }
0x9f: {  	s4 =	ssub.s32 $0x0, s20;
	[sflag:s22] =	ssyncset.done $0x0  }
0xa0: {  	[sflag:s22] =	ssyncadd.s32 s4;
	_ =	sdelay $0x1  }
0xa1: {  	s23 =	simm.s32 $0x1B8B  }
0xa2: {  	_ =	swait.ge [sflag:s23], $0x1  }
0xa3: {  	[sflag:s23] =	ssyncset.done $0x0  }
0xa4: {  	s25 =	simm.s32 $0x1B8E;
	s24 =	sld [smem:$0x3FFE];
	[sflag:s23] =	ssyncadd.s32 $0xFFFFFFFF  }
0xa5: {  	s26 =	simm.s32 $execute0_lowered;
	[smem:$0x3FD2] =	sst s25  }
0xa6: {  	s5 =	sshll.u32 s26, $0x1;
	_ =	strace $0x80000046;
	[dreg:$0x1] =	wrdreg $0xFFFFFFFF  }
0xa7: {  	s28 =	simm.s32 $_size_execute0_lowered;
	s3 =	sadd.s32 s3, s5;
	[dreg:$0x0] =	wrdreg $0x0  }
0xa8: {  	s5 =	sshll.u32 s28, $0x1;
	[dreg:$0x2] =	wrdreg s3  }
0xa9: {  	[dreg:$0x3] =	wrdreg s5  }
0xaa: {  	[dreg:$0x4] =	wrdreg $0xC0  }
0xab: {  	_ =	task [dreg:s7], $0x5FFFF  }
0xac: {  	[dreg:$0x1] =	wrdreg $0xFFFFFFFF  }
0xad: {  	[dreg:$0x0] =	wrdreg $0x60  }
0xae: {  	[dreg:$0x2] =	wrdreg s24  }
0xaf: {  	[dreg:$0x3] =	wrdreg s2  }
0xb0: {  	[dreg:$0x4] =	wrdreg $0x9  }
0xb1: {  	_ =	task.clear_ibuf [dreg:s7], $0x5FFFF;
	_ =	strace $0x90000046  }
0xb2: {  	s29 =	simm.s32 $0x9;
	_ =	strace $0x80000048  }
0xb3: {  	_ =	swait.ge [sflag:s29], $0x1  }
0xb4: {  	[sflag:s29] =	ssyncadd.s32 $0xFFFFFFFF  }
0xb5: {  	_ =	strace $0x90000048  }
0xb6: {  	_ =	sfence  }
0xb7: {  	s30 =	sld [smem:$0x0];
	_ =	sdelay $0x2  }
0xb8: {  	s31 =	sshll.u32 s1, $0xD;
	s1 =	sshrl.u32 s1, $0x2  }
0xb9: {  	s3 =	sand.u32 $0x4000, s31;
	s1 =	sadd.s32 s1, s30  }
0xba: {  	s0 =	sor.u32 s3, s0;
	s1 =	sshll.u32 s1, $0x11  }
0xbb: {  	s0 =	sor.u32 s1, s0  }
0xbc: {  	s0 =	sadd.s32 $0x8F2B, s0  }
0xbd: {  	[sflag:s0] =	ssyncadd.remote.s32 $0x1  }
0xbe: {  	_ =	sfence.sel $0xFFFF  }
0xbf: {  	[dreg:$0x0] =	wrdreg $0xFFFFFFFF;
	(pc) =	sbr.abs _section_cstart, $3  }
0xc0: {  	[dreg:$0x1] =	wrdreg $0xFFFFFFFF  }
0xc1: {  	_ =	task.clear_ibuf [dreg:s7], $0x2FFFF;
	_ =	strace $0x9FFFFFFF  }
0xc2: {  	(tm) =	ssettm $0x7FFFFFFF  }
0xc3: {  	_ =	shalt  }
tec
execute0_lowered:
.L_overlay_start_1:
0x0: {  	(tag) =	ssettag $0x1  }
0x1: {  	s3 =	rddreg [dreg:$0x0];
	s1 =	stileid.u32  }
0x2: {  	s4 =	rddreg [dreg:$0x1];
	s0 =	srdreg.scid;
	s5 =	sshll.u32 s1, $0x1  }
0x3: {  	s6 =	sshll.u32 s1, $0xA;
	s0 =	sand.u32 $0x1, s0;
	s5 =	sand.u32 $0x6, s5  }
0x4: {  	s7 =	sand.u32 $0x4, s1;
	s6 =	sand.u32 $0x2000, s6;
	s5 =	sor.u32 s0, s5  }
0x5: {  	s8 =	sshll.u32 s7, $0xB;
	s7 =	sshll.u32 s7, $0x14;
	s9 =	sshll.u32 s5, $0xE  }
0x6: {  	s3 =	sadd.s32 s6, s3;
	s8 =	sxor.u32 $0x2000, s8;
	s7 =	sor.u32 s7, s9  }
0x7: {  	s5 =	sshll.u32 s5, $0xF;
	s3 =	sadd.s32 s8, s3;
	s6 =	sor.u32 s6, s7  }
0x8: {  	s2 =	simm.s32 $0x0;
	s3 =	sadd.s32 s5, s3;
	s6 =	sxor.u32 $0x1C000, s6  }
0x9: {  	[smem:$0x7FF] =	sst s2;
	s7 =	sadd.s32 $0x800, s3;
	s3 =	sadd.s32 s4, s6  }
0xa: {  	_ =	strace $0x80000047;
	[dreg:$0x3] =	wrdreg s7;
	s4 =	sadd.s32 $0x20000, s3  }
0xb: {  	s8 =	sadd.s32 $0x40000, s3;
	[dreg:$0x4] =	wrdreg s4  }
0xc: {  	s9 =	sadd.s32 $0x60000, s3;
	[dreg:$0x5] =	wrdreg s8  }
0xd: {  	s10 =	sadd.s32 $0x80000, s3;
	[dreg:$0x6] =	wrdreg s9  }
0xe: {  	s11 =	sadd.s32 $0xA0000, s3;
	[dreg:$0x7] =	wrdreg s10  }
0xf: {  	s12 =	sadd.s32 $0xC0000, s3;
	[dreg:$0x8] =	wrdreg s11  }
0x10: {  	s13 =	sadd.s32 $0xE0000, s3;
	[dreg:$0x9] =	wrdreg s12  }
0x11: {  	s14 =	sadd.s32 $0x100000, s3;
	[dreg:$0xa] =	wrdreg s13  }
0x12: {  	s15 =	sadd.s32 $0x120000, s3;
	[dreg:$0xb] =	wrdreg s14  }
0x13: {  	s16 =	sadd.s32 $0x140000, s3;
	[dreg:$0xc] =	wrdreg s15  }
0x14: {  	s17 =	sadd.s32 $0x160000, s3;
	[dreg:$0xd] =	wrdreg s16  }
0x15: {  	s18 =	sadd.s32 $0x180000, s3;
	[dreg:$0xe] =	wrdreg s17  }
0x16: {  	s19 =	sadd.s32 $0x1A0000, s3;
	[dreg:$0xf] =	wrdreg s18  }
0x17: {  	s20 =	sadd.s32 $0x1C0000, s3;
	[dreg:$0x10] =	wrdreg s19  }
0x18: {  	s21 =	sadd.s32 $0x1E0000, s3;
	[dreg:$0x11] =	wrdreg s20  }
0x19: {  	s22 =	sadd.s32 $0x200000, s3;
	[dreg:$0x12] =	wrdreg s21  }
0x1a: {  	s23 =	sadd.s32 $0x220000, s3;
	[dreg:$0x13] =	wrdreg s22  }
0x1b: {  	s24 =	sadd.s32 $0x240000, s3;
	[dreg:$0x14] =	wrdreg s23  }
0x1c: {  	s25 =	sadd.s32 $0x260000, s3;
	[dreg:$0x15] =	wrdreg s24  }
0x1d: {  	s26 =	sadd.s32 $0x280000, s3;
	[dreg:$0x16] =	wrdreg s25  }
0x1e: {  	s1 =	sadd.s32 $0x2A0000, s3;
	[dreg:$0x17] =	wrdreg s26  }
0x1f: {  	s5 =	sadd.s32 $0x2C0000, s3;
	[dreg:$0x18] =	wrdreg s1  }
0x20: {  	s6 =	sadd.s32 $0x2E0000, s3;
	[dreg:$0x19] =	wrdreg s5  }
0x21: {  	s7 =	sadd.s32 $0x300000, s3;
	[dreg:$0x1a] =	wrdreg s6  }
0x22: {  	[dreg:$0x1b] =	wrdreg s7  }
0x23: {  	s8 =	sadd.s32 $0x320000, s3;
	s20 =	rddreg [dreg:$0x3]  }
0x24: {  	s9 =	sadd.s32 $0x340000, s3;
	[dreg:$0x1c] =	wrdreg s8  }
0x25: {  	s10 =	sadd.s32 $0x360000, s3;
	[dreg:$0x1d] =	wrdreg s9  }
0x26: {  	s11 =	sadd.s32 $0x380000, s3;
	[dreg:$0x1e] =	wrdreg s10  }
0x27: {  	s12 =	sadd.s32 $0x3A0000, s3;
	[dreg:$0x1f] =	wrdreg s11  }
0x28: {  	s13 =	sadd.s32 $0x3C0000, s3;
	[smem:$0x7FB] =	sst s12  }
0x29: {  	s14 =	sadd.s32 $0x3E0000, s3;
	[smem:$0x7FC] =	sst s13  }
0x2a: {  	s15 =	simm.s32 $0xF800;
	[smem:$0x7FD] =	sst s14  }
0x2b: {  	s16 =	simm.s32 $0xF000;
	[smem:$0x7F8] =	sst s15  }
0x2c: {  	s17 =	simm.s32 $0xE800;
	[smem:$0x7F7] =	sst s16  }
0x2d: {  	s18 =	simm.s32 $0xE000;
	[smem:$0x7F9] =	sst s17  }
0x2e: {  	s19 =	simm.s32 $0xD800;
	[smem:$0x7FA] =	sst s18  }
0x2f: {  	s21 =	simm.s32 $0xD000;
	[smem:$0x7F6] =	sst s19  }
0x30: {  	s4 =	simm.s32 $0x2;
	[smem:$0x7F5] =	sst s21  }
0x31: {  	[tilespmem:s2], [sflag:$0x2] =	stream.linear.gather [hbm4b:s20+s2], $0x1F800, $0x38;
	[tilespmem:$0x1F800] =	vst v63  }
0x32: {  	_ =	swait.ge [sflag:s4], $0x1F800  }
0x33: {  	s22 =	sld [smem:$0x7F5]  }
0x34: {  	s23 =	sld [smem:$0x7F6]  }
0x35: {  	s24 =	rddreg [dreg:$0x4]  }
0x36: {  	s25 =	sld [smem:$0x7F7]  }
0x37: {  	s26 =	sld [smem:$0x7F8]  }
0x38: {  	[sflag:s4] =	ssyncset.done $0x0;
	s10 =	sld [smem:$0x7F9]  }
0x39: {  	s11 =	sld [smem:$0x7FA];
	[sflag:s4] =	ssyncadd.s32 $0xFFFE0800  }
0x3a: {  	[hbm4b:s3+s2] =	stream.linear.scatter [tilespmem:s26], [sflag:$0x1], $0x10000, $0x38;
	[tilespmem:$0x1F800] =	vst v63  }
0x3b: {  	s1 =	rddreg [dreg:$0x5]  }
0x3c: {  	[hbm4b:s24+s2] =	stream.linear.scatter [tilespmem:s25], [sflag:$0x1], $0x10000, $0x38;
	[tilespmem:$0x1F800] =	vst v63  }
0x3d: {  	s12 =	rddreg [dreg:$0x6]  }
0x3e: {  	[hbm4b:s1+s2] =	stream.linear.scatter [tilespmem:s10], [sflag:$0x1], $0x10000, $0x38;
	[tilespmem:$0x1F800] =	vst v63  }
0x3f: {  	s13 =	rddreg [dreg:$0x7]  }
0x40: {  	[hbm4b:s12+s2] =	stream.linear.scatter [tilespmem:s11], [sflag:$0x1], $0x10000, $0x38;
	[tilespmem:$0x1F800] =	vst v63  }
0x41: {  	s14 =	rddreg [dreg:$0x8]  }
0x42: {  	[hbm4b:s13+s2] =	stream.linear.scatter [tilespmem:s23], [sflag:$0x1], $0x10000, $0x38;
	[tilespmem:$0x1F800] =	vst v63  }
0x43: {  	s15 =	rddreg [dreg:$0x9]  }
0x44: {  	[hbm4b:s14+s2] =	stream.linear.scatter [tilespmem:s22], [sflag:$0x1], $0x10000, $0x38;
	[tilespmem:$0x1F800] =	vst v63  }
0x45: {  	s16 =	simm.s32 $0xC800;
	s17 =	rddreg [dreg:$0xa]  }
0x46: {  	[hbm4b:s15+s2] =	stream.linear.scatter [tilespmem:s16], [sflag:$0x1], $0x10000, $0x38;
	[tilespmem:$0x1F800] =	vst v63  }
0x47: {  	s18 =	simm.s32 $0xC000;
	s19 =	rddreg [dreg:$0xb]  }
0x48: {  	[hbm4b:s17+s2] =	stream.linear.scatter [tilespmem:s18], [sflag:$0x1], $0x10000, $0x38;
	[tilespmem:$0x1F800] =	vst v63  }
0x49: {  	s20 =	simm.s32 $0xB800;
	s21 =	rddreg [dreg:$0xc]  }
0x4a: {  	[hbm4b:s19+s2] =	stream.linear.scatter [tilespmem:s20], [sflag:$0x1], $0x10000, $0x38;
	[tilespmem:$0x1F800] =	vst v63  }
0x4b: {  	s5 =	rddreg [dreg:$0x1b];
	s22 =	simm.s32 $0xB000  }
0x4c: {  	[hbm4b:s21+s2] =	stream.linear.scatter [tilespmem:s22], [sflag:$0x1], $0x10000, $0x38;
	[tilespmem:$0x1F800] =	vst v63  }
0x4d: {  	s24 =	simm.s32 $0xA800;
	s23 =	rddreg [dreg:$0xd]  }
0x4e: {  	[hbm4b:s23+s2] =	stream.linear.scatter [tilespmem:s24], [sflag:$0x1], $0x10000, $0x38;
	[tilespmem:$0x1F800] =	vst v63  }
0x4f: {  	s26 =	simm.s32 $0xA000;
	s25 =	rddreg [dreg:$0xe]  }
0x50: {  	[hbm4b:s25+s2] =	stream.linear.scatter [tilespmem:s26], [sflag:$0x1], $0x10000, $0x38;
	[tilespmem:$0x1F800] =	vst v63  }
0x51: {  	s12 =	rddreg [dreg:$0xf];
	s11 =	simm.s32 $0x9800  }
0x52: {  	[hbm4b:s12+s2] =	stream.linear.scatter [tilespmem:s11], [sflag:$0x1], $0x10000, $0x38;
	[tilespmem:$0x1F800] =	vst v63  }
0x53: {  	s13 =	rddreg [dreg:$0x10];
	s12 =	simm.s32 $0x9000  }
0x54: {  	[hbm4b:s13+s2] =	stream.linear.scatter [tilespmem:s12], [sflag:$0x1], $0x10000, $0x38;
	[tilespmem:$0x1F800] =	vst v63  }
0x55: {  	s14 =	rddreg [dreg:$0x11];
	s13 =	simm.s32 $0x8800  }
0x56: {  	[hbm4b:s14+s2] =	stream.linear.scatter [tilespmem:s13], [sflag:$0x1], $0x10000, $0x38;
	[tilespmem:$0x1F800] =	vst v63  }
0x57: {  	s15 =	rddreg [dreg:$0x12];
	s14 =	simm.s32 $0x8000  }
0x58: {  	[hbm4b:s15+s2] =	stream.linear.scatter [tilespmem:s14], [sflag:$0x1], $0x10000, $0x38;
	[tilespmem:$0x1F800] =	vst v63  }
0x59: {  	s16 =	rddreg [dreg:$0x13];
	s15 =	simm.s32 $0x7800  }
0x5a: {  	[hbm4b:s16+s2] =	stream.linear.scatter [tilespmem:s15], [sflag:$0x1], $0x10000, $0x38;
	[tilespmem:$0x1F800] =	vst v63  }
0x5b: {  	s17 =	rddreg [dreg:$0x14];
	s16 =	simm.s32 $0x7000  }
0x5c: {  	[hbm4b:s17+s2] =	stream.linear.scatter [tilespmem:s16], [sflag:$0x1], $0x10000, $0x38;
	[tilespmem:$0x1F800] =	vst v63  }
0x5d: {  	s18 =	rddreg [dreg:$0x15];
	s17 =	simm.s32 $0x6800  }
0x5e: {  	[hbm4b:s18+s2] =	stream.linear.scatter [tilespmem:s17], [sflag:$0x1], $0x10000, $0x38;
	[tilespmem:$0x1F800] =	vst v63  }
0x5f: {  	s19 =	rddreg [dreg:$0x16];
	s18 =	simm.s32 $0x6000  }
0x60: {  	[hbm4b:s19+s2] =	stream.linear.scatter [tilespmem:s18], [sflag:$0x1], $0x10000, $0x38;
	[tilespmem:$0x1F800] =	vst v63  }
0x61: {  	s20 =	rddreg [dreg:$0x17];
	s19 =	simm.s32 $0x5800  }
0x62: {  	[hbm4b:s20+s2] =	stream.linear.scatter [tilespmem:s19], [sflag:$0x1], $0x10000, $0x38;
	[tilespmem:$0x1F800] =	vst v63  }
0x63: {  	s22 =	rddreg [dreg:$0x18];
	s21 =	simm.s32 $0x5000  }
0x64: {  	[hbm4b:s22+s2] =	stream.linear.scatter [tilespmem:s21], [sflag:$0x1], $0x10000, $0x38;
	[tilespmem:$0x1F800] =	vst v63  }
0x65: {  	s1 =	rddreg [dreg:$0x19];
	s22 =	simm.s32 $0x4800  }
0x66: {  	[hbm4b:s1+s2] =	stream.linear.scatter [tilespmem:s22], [sflag:$0x1], $0x10000, $0x38;
	[tilespmem:$0x1F800] =	vst v63  }
0x67: {  	s24 =	rddreg [dreg:$0x1a];
	s23 =	simm.s32 $0x4000  }
0x68: {  	[hbm4b:s24+s2] =	stream.linear.scatter [tilespmem:s23], [sflag:$0x1], $0x10000, $0x38;
	[tilespmem:$0x1F800] =	vst v63  }
0x69: {  	s6 =	rddreg [dreg:$0x1d];
	s24 =	simm.s32 $0x3800  }
0x6a: {  	[hbm4b:s5+s2] =	stream.linear.scatter [tilespmem:s24], [sflag:$0x1], $0x10000, $0x38;
	[tilespmem:$0x1F800] =	vst v63  }
0x6b: {  	s26 =	rddreg [dreg:$0x1c];
	s25 =	simm.s32 $0x3000  }
0x6c: {  	[hbm4b:s26+s2] =	stream.linear.scatter [tilespmem:s25], [sflag:$0x1], $0x10000, $0x38;
	[tilespmem:$0x1F800] =	vst v63  }
0x6d: {  	s29 =	rddreg [dreg:$0x1e];
	s26 =	simm.s32 $0x2800  }
0x6e: {  	[hbm4b:s6+s2] =	stream.linear.scatter [tilespmem:s26], [sflag:$0x1], $0x10000, $0x38;
	[tilespmem:$0x1F800] =	vst v63  }
0x6f: {  	s28 =	simm.s32 $0x2000;
	s7 =	rddreg [dreg:$0x1f]  }
0x70: {  	[hbm4b:s29+s2] =	stream.linear.scatter [tilespmem:s28], [sflag:$0x1], $0x10000, $0x38;
	[tilespmem:$0x1F800] =	vst v63  }
0x71: {  	s31 =	sld [smem:$0x7FB];
	s29 =	simm.s32 $0x1800  }
0x72: {  	[hbm4b:s7+s2] =	stream.linear.scatter [tilespmem:s29], [sflag:$0x1], $0x10000, $0x38;
	[tilespmem:$0x1F800] =	vst v63  }
0x73: {  	s30 =	simm.s32 $0x1000;
	s8 =	sld [smem:$0x7FC]  }
0x74: {  	[hbm4b:s31+s2] =	stream.linear.scatter [tilespmem:s30], [sflag:$0x1], $0x10000, $0x38;
	[tilespmem:$0x1F800] =	vst v63  }
0x75: {  	s9 =	sld [smem:$0x7FD];
	s31 =	simm.s32 $0x800  }
0x76: {  	[hbm4b:s8+s2] =	stream.linear.scatter [tilespmem:s31], [sflag:$0x1], $0x10000, $0x38;
	[tilespmem:$0x1F800] =	vst v63  }
0x77: {  	s20 =	simm.s32 $0x1  }
0x78: {  	[hbm4b:s9+s2] =	stream.linear.scatter [tilespmem:s2], [sflag:$0x1], $0x10000, $0x38;
	[tilespmem:$0x1F800] =	vst v63  }
0x79: {  	_ =	swait.ge [sflag:s20], $0x10000  }
0x7a: {  	[sflag:s20] =	ssyncset.done $0x0  }
0x7b: {  	[sflag:s20] =	ssyncadd.s32 $0xFFFF0000  }
0x7c: {  	_ =	swait.ge [sflag:s20], $0x10000  }
0x7d: {  	[sflag:s20] =	ssyncset.done $0x0  }
0x7e: {  	[sflag:s20] =	ssyncadd.s32 $0xFFFF0000  }
0x7f: {  	_ =	swait.ge [sflag:s20], $0x10000  }
0x80: {  	[sflag:s20] =	ssyncset.done $0x0  }
0x81: {  	[sflag:s20] =	ssyncadd.s32 $0xFFFF0000  }
0x82: {  	_ =	swait.ge [sflag:s20], $0x10000  }
0x83: {  	[sflag:s20] =	ssyncset.done $0x0  }
0x84: {  	[sflag:s20] =	ssyncadd.s32 $0xFFFF0000  }
0x85: {  	_ =	swait.ge [sflag:s20], $0x10000  }
0x86: {  	[sflag:s20] =	ssyncset.done $0x0  }
0x87: {  	[sflag:s20] =	ssyncadd.s32 $0xFFFF0000  }
0x88: {  	_ =	swait.ge [sflag:s20], $0x10000  }
0x89: {  	[sflag:s20] =	ssyncset.done $0x0  }
0x8a: {  	[sflag:s20] =	ssyncadd.s32 $0xFFFF0000  }
0x8b: {  	_ =	swait.ge [sflag:s20], $0x10000  }
0x8c: {  	[sflag:s20] =	ssyncset.done $0x0  }
0x8d: {  	[sflag:s20] =	ssyncadd.s32 $0xFFFF0000  }
0x8e: {  	_ =	swait.ge [sflag:s20], $0x10000  }
0x8f: {  	[sflag:s20] =	ssyncset.done $0x0  }
0x90: {  	[sflag:s20] =	ssyncadd.s32 $0xFFFF0000  }
0x91: {  	_ =	swait.ge [sflag:s20], $0x10000  }
0x92: {  	[sflag:s20] =	ssyncset.done $0x0  }
0x93: {  	[sflag:s20] =	ssyncadd.s32 $0xFFFF0000  }
0x94: {  	_ =	swait.ge [sflag:s20], $0x10000  }
0x95: {  	[sflag:s20] =	ssyncset.done $0x0  }
0x96: {  	[sflag:s20] =	ssyncadd.s32 $0xFFFF0000  }
0x97: {  	_ =	swait.ge [sflag:s20], $0x10000  }
0x98: {  	[sflag:s20] =	ssyncset.done $0x0  }
0x99: {  	[sflag:s20] =	ssyncadd.s32 $0xFFFF0000  }
0x9a: {  	_ =	swait.ge [sflag:s20], $0x10000  }
0x9b: {  	[sflag:s20] =	ssyncset.done $0x0  }
0x9c: {  	[sflag:s20] =	ssyncadd.s32 $0xFFFF0000  }
0x9d: {  	_ =	swait.ge [sflag:s20], $0x10000  }
0x9e: {  	[sflag:s20] =	ssyncset.done $0x0  }
0x9f: {  	[sflag:s20] =	ssyncadd.s32 $0xFFFF0000  }
0xa0: {  	_ =	swait.ge [sflag:s20], $0x10000  }
0xa1: {  	[sflag:s20] =	ssyncset.done $0x0  }
0xa2: {  	[sflag:s20] =	ssyncadd.s32 $0xFFFF0000  }
0xa3: {  	_ =	swait.ge [sflag:s20], $0x10000  }
0xa4: {  	[sflag:s20] =	ssyncset.done $0x0  }
0xa5: {  	[sflag:s20] =	ssyncadd.s32 $0xFFFF0000  }
0xa6: {  	_ =	swait.ge [sflag:s20], $0x10000  }
0xa7: {  	[sflag:s20] =	ssyncset.done $0x0  }
0xa8: {  	[sflag:s20] =	ssyncadd.s32 $0xFFFF0000  }
0xa9: {  	_ =	swait.ge [sflag:s20], $0x10000  }
0xaa: {  	[sflag:s20] =	ssyncset.done $0x0  }
0xab: {  	[sflag:s20] =	ssyncadd.s32 $0xFFFF0000  }
0xac: {  	_ =	swait.ge [sflag:s20], $0x10000  }
0xad: {  	[sflag:s20] =	ssyncset.done $0x0  }
0xae: {  	[sflag:s20] =	ssyncadd.s32 $0xFFFF0000  }
0xaf: {  	_ =	swait.ge [sflag:s20], $0x10000  }
0xb0: {  	s0 =	ssub.s32 $0x2, s0;
	[sflag:s20] =	ssyncset.done $0x0  }
0xb1: {  	s10 =	sshrl.u32 s0, $0x1;
	[sflag:s20] =	ssyncadd.s32 $0xFFFF0000  }
0xb2: {  	s0 =	ssub.s32 s0, s10;
	_ =	swait.ge [sflag:s20], $0x10000  }
0xb3: {  	s0 =	smax.u32 s0, $0x1;
	[sflag:s20] =	ssyncset.done $0x0  }
0xb4: {  	p0 =	sne.s32 s0, $0x1;
	[sflag:s20] =	ssyncadd.s32 $0xFFFF0000  }
.Ltmp0:
0xb5: {  	_ =	swait.ge [sflag:s20], $0x10000;
	(pc) =	sbr.rel @!p0 .LBB2_2-.Ltmp0, $4  }
0xb6: {  	[sflag:s20] =	ssyncset.done $0x0  }
0xb7: {  	[sflag:s20] =	ssyncadd.s32 $0xFFFF0000  }
0xb8: {  	_ =	swait.ge [sflag:s20], $0x10000  }
0xb9: {  	s0 =	sadd.s32 $0xFFFFFFFF, s0;
	[sflag:s20] =	ssyncset.done $0x0  }
.LBB2_1:
0xba: {  	[sflag:s20] =	ssyncadd.s32 $0xFFFF0000  }
0xbb: {  	_ =	swait.ge [sflag:s20], $0x10000  }
0xbc: {  	[sflag:s20] =	ssyncset.done $0x0  }
0xbd: {  	[sflag:s20] =	ssyncadd.s32 $0xFFFF0000  }
0xbe: {  	_ =	swait.ge [sflag:s20], $0x10000  }
0xbf: {  	[sflag:s20] =	ssyncset.done $0x0  }
0xc0: {  	[sflag:s20] =	ssyncadd.s32 $0xFFFF0000  }
0xc1: {  	_ =	swait.ge [sflag:s20], $0x10000  }
0xc2: {  	[sflag:s20] =	ssyncset.done $0x0  }
0xc3: {  	[sflag:s20] =	ssyncadd.s32 $0xFFFF0000  }
0xc4: {  	_ =	swait.ge [sflag:s20], $0x10000  }
0xc5: {  	[sflag:s20] =	ssyncset.done $0x0  }
0xc6: {  	[sflag:s20] =	ssyncadd.s32 $0xFFFF0000  }
0xc7: {  	_ =	swait.ge [sflag:s20], $0x10000  }
0xc8: {  	[sflag:s20] =	ssyncset.done $0x0  }
0xc9: {  	[sflag:s20] =	ssyncadd.s32 $0xFFFF0000  }
0xca: {  	_ =	swait.ge [sflag:s20], $0x10000  }
0xcb: {  	[sflag:s20] =	ssyncset.done $0x0  }
0xcc: {  	[sflag:s20] =	ssyncadd.s32 $0xFFFF0000  }
0xcd: {  	_ =	swait.ge [sflag:s20], $0x10000  }
0xce: {  	[sflag:s20] =	ssyncset.done $0x0  }
0xcf: {  	[sflag:s20] =	ssyncadd.s32 $0xFFFF0000  }
0xd0: {  	_ =	swait.ge [sflag:s20], $0x10000  }
0xd1: {  	[sflag:s20] =	ssyncset.done $0x0  }
0xd2: {  	[sflag:s20] =	ssyncadd.s32 $0xFFFF0000  }
0xd3: {  	_ =	swait.ge [sflag:s20], $0x10000  }
0xd4: {  	[sflag:s20] =	ssyncset.done $0x0  }
0xd5: {  	[sflag:s20] =	ssyncadd.s32 $0xFFFF0000  }
0xd6: {  	_ =	swait.ge [sflag:s20], $0x10000  }
0xd7: {  	[sflag:s20] =	ssyncset.done $0x0  }
0xd8: {  	s1 =	rddreg [dreg:$0x3];
	[sflag:s20] =	ssyncadd.s32 $0xFFFF0000  }
0xd9: {  	[tilespmem:s2], [sflag:$0x2] =	stream.linear.gather [hbm4b:s1+s2], $0x1F800, $0x38;
	[tilespmem:$0x1F800] =	vst v63  }
0xda: {  	_ =	swait.ge [sflag:s4], $0x1F800  }
0xdb: {  	s1 =	sld [smem:$0x7F5]  }
0xdc: {  	s5 =	sld [smem:$0x7F6]  }
0xdd: {  	s6 =	rddreg [dreg:$0x4]  }
0xde: {  	s7 =	sld [smem:$0x7F7]  }
0xdf: {  	s8 =	sld [smem:$0x7F8]  }
0xe0: {  	[sflag:s4] =	ssyncset.done $0x0;
	s9 =	sld [smem:$0x7F9]  }
0xe1: {  	s10 =	sld [smem:$0x7FA];
	[sflag:s4] =	ssyncadd.s32 $0xFFFE0800  }
0xe2: {  	[hbm4b:s3+s2] =	stream.linear.scatter [tilespmem:s8], [sflag:$0x1], $0x10000, $0x38;
	[tilespmem:$0x1F800] =	vst v63  }
0xe3: {  	s8 =	rddreg [dreg:$0x5]  }
0xe4: {  	[hbm4b:s6+s2] =	stream.linear.scatter [tilespmem:s7], [sflag:$0x1], $0x10000, $0x38;
	[tilespmem:$0x1F800] =	vst v63  }
0xe5: {  	s7 =	rddreg [dreg:$0x6]  }
0xe6: {  	[hbm4b:s8+s2] =	stream.linear.scatter [tilespmem:s9], [sflag:$0x1], $0x10000, $0x38;
	[tilespmem:$0x1F800] =	vst v63  }
0xe7: {  	s6 =	rddreg [dreg:$0x14]  }
0xe8: {  	[hbm4b:s7+s2] =	stream.linear.scatter [tilespmem:s10], [sflag:$0x1], $0x10000, $0x38;
	[tilespmem:$0x1F800] =	vst v63  }
0xe9: {  	s8 =	rddreg [dreg:$0x7]  }
0xea: {  	[hbm4b:s8+s2] =	stream.linear.scatter [tilespmem:s5], [sflag:$0x1], $0x10000, $0x38;
	[tilespmem:$0x1F800] =	vst v63  }
0xeb: {  	s9 =	rddreg [dreg:$0x8]  }
0xec: {  	[hbm4b:s9+s2] =	stream.linear.scatter [tilespmem:s1], [sflag:$0x1], $0x10000, $0x38;
	[tilespmem:$0x1F800] =	vst v63  }
0xed: {  	s10 =	rddreg [dreg:$0x9];
	s8 =	simm.s32 $0xC800  }
0xee: {  	[hbm4b:s10+s2] =	stream.linear.scatter [tilespmem:s8], [sflag:$0x1], $0x10000, $0x38;
	[tilespmem:$0x1F800] =	vst v63  }
0xef: {  	s7 =	rddreg [dreg:$0xa];
	s10 =	simm.s32 $0xC000  }
0xf0: {  	[hbm4b:s7+s2] =	stream.linear.scatter [tilespmem:s10], [sflag:$0x1], $0x10000, $0x38;
	[tilespmem:$0x1F800] =	vst v63  }
0xf1: {  	s9 =	rddreg [dreg:$0xb];
	s8 =	simm.s32 $0xB800  }
0xf2: {  	[hbm4b:s9+s2] =	stream.linear.scatter [tilespmem:s8], [sflag:$0x1], $0x10000, $0x38;
	[tilespmem:$0x1F800] =	vst v63  }
0xf3: {  	s7 =	rddreg [dreg:$0xc];
	s10 =	simm.s32 $0xB000  }
0xf4: {  	[hbm4b:s7+s2] =	stream.linear.scatter [tilespmem:s10], [sflag:$0x1], $0x10000, $0x38;
	[tilespmem:$0x1F800] =	vst v63  }
0xf5: {  	s9 =	rddreg [dreg:$0xd];
	s8 =	simm.s32 $0xA800  }
0xf6: {  	[hbm4b:s9+s2] =	stream.linear.scatter [tilespmem:s8], [sflag:$0x1], $0x10000, $0x38;
	[tilespmem:$0x1F800] =	vst v63  }
0xf7: {  	s7 =	rddreg [dreg:$0xe];
	s10 =	simm.s32 $0xA000  }
0xf8: {  	[hbm4b:s7+s2] =	stream.linear.scatter [tilespmem:s10], [sflag:$0x1], $0x10000, $0x38;
	[tilespmem:$0x1F800] =	vst v63  }
0xf9: {  	s9 =	rddreg [dreg:$0xf]  }
0xfa: {  	[hbm4b:s9+s2] =	stream.linear.scatter [tilespmem:s11], [sflag:$0x1], $0x10000, $0x38;
	[tilespmem:$0x1F800] =	vst v63  }
0xfb: {  	s7 =	rddreg [dreg:$0x10]  }
0xfc: {  	[hbm4b:s7+s2] =	stream.linear.scatter [tilespmem:s12], [sflag:$0x1], $0x10000, $0x38;
	[tilespmem:$0x1F800] =	vst v63  }
0xfd: {  	s8 =	rddreg [dreg:$0x11]  }
0xfe: {  	[hbm4b:s8+s2] =	stream.linear.scatter [tilespmem:s13], [sflag:$0x1], $0x10000, $0x38;
	[tilespmem:$0x1F800] =	vst v63  }
0xff: {  	s9 =	rddreg [dreg:$0x12]  }
0x100: {  	[hbm4b:s9+s2] =	stream.linear.scatter [tilespmem:s14], [sflag:$0x1], $0x10000, $0x38;
	[tilespmem:$0x1F800] =	vst v63  }
0x101: {  	s10 =	rddreg [dreg:$0x13]  }
0x102: {  	[hbm4b:s10+s2] =	stream.linear.scatter [tilespmem:s15], [sflag:$0x1], $0x10000, $0x38;
	[tilespmem:$0x1F800] =	vst v63  }
0x103: {  	s7 =	rddreg [dreg:$0x15]  }
0x104: {  	[hbm4b:s6+s2] =	stream.linear.scatter [tilespmem:s16], [sflag:$0x1], $0x10000, $0x38;
	[tilespmem:$0x1F800] =	vst v63  }
0x105: {  	s8 =	rddreg [dreg:$0x16]  }
0x106: {  	[hbm4b:s7+s2] =	stream.linear.scatter [tilespmem:s17], [sflag:$0x1], $0x10000, $0x38;
	[tilespmem:$0x1F800] =	vst v63  }
0x107: {  	s9 =	rddreg [dreg:$0x17]  }
0x108: {  	[hbm4b:s8+s2] =	stream.linear.scatter [tilespmem:s18], [sflag:$0x1], $0x10000, $0x38;
	[tilespmem:$0x1F800] =	vst v63  }
0x109: {  	s10 =	rddreg [dreg:$0x18]  }
0x10a: {  	[hbm4b:s9+s2] =	stream.linear.scatter [tilespmem:s19], [sflag:$0x1], $0x10000, $0x38;
	[tilespmem:$0x1F800] =	vst v63  }
0x10b: {  	s6 =	rddreg [dreg:$0x19]  }
0x10c: {  	[hbm4b:s10+s2] =	stream.linear.scatter [tilespmem:s21], [sflag:$0x1], $0x10000, $0x38;
	[tilespmem:$0x1F800] =	vst v63  }
0x10d: {  	s7 =	rddreg [dreg:$0x1a]  }
0x10e: {  	[hbm4b:s6+s2] =	stream.linear.scatter [tilespmem:s22], [sflag:$0x1], $0x10000, $0x38;
	[tilespmem:$0x1F800] =	vst v63  }
0x10f: {  	s8 =	rddreg [dreg:$0x1b]  }
0x110: {  	[hbm4b:s7+s2] =	stream.linear.scatter [tilespmem:s23], [sflag:$0x1], $0x10000, $0x38;
	[tilespmem:$0x1F800] =	vst v63  }
0x111: {  	s9 =	rddreg [dreg:$0x1c]  }
0x112: {  	[hbm4b:s8+s2] =	stream.linear.scatter [tilespmem:s24], [sflag:$0x1], $0x10000, $0x38;
	[tilespmem:$0x1F800] =	vst v63  }
0x113: {  	s10 =	rddreg [dreg:$0x1d]  }
0x114: {  	[hbm4b:s9+s2] =	stream.linear.scatter [tilespmem:s25], [sflag:$0x1], $0x10000, $0x38;
	[tilespmem:$0x1F800] =	vst v63  }
0x115: {  	s6 =	rddreg [dreg:$0x1e]  }
0x116: {  	[hbm4b:s10+s2] =	stream.linear.scatter [tilespmem:s26], [sflag:$0x1], $0x10000, $0x38;
	[tilespmem:$0x1F800] =	vst v63  }
0x117: {  	s7 =	rddreg [dreg:$0x1f]  }
0x118: {  	[hbm4b:s6+s2] =	stream.linear.scatter [tilespmem:s28], [sflag:$0x1], $0x10000, $0x38;
	[tilespmem:$0x1F800] =	vst v63  }
0x119: {  	s8 =	sld [smem:$0x7FB]  }
0x11a: {  	[hbm4b:s7+s2] =	stream.linear.scatter [tilespmem:s29], [sflag:$0x1], $0x10000, $0x38;
	[tilespmem:$0x1F800] =	vst v63  }
0x11b: {  	s9 =	sld [smem:$0x7FC]  }
0x11c: {  	[hbm4b:s8+s2] =	stream.linear.scatter [tilespmem:s30], [sflag:$0x1], $0x10000, $0x38;
	[tilespmem:$0x1F800] =	vst v63  }
0x11d: {  	s10 =	sld [smem:$0x7FD]  }
0x11e: {  	[hbm4b:s9+s2] =	stream.linear.scatter [tilespmem:s31], [sflag:$0x1], $0x10000, $0x38;
	[tilespmem:$0x1F800] =	vst v63  }
0x11f: {  	_ = 	snop  }
0x120: {  	[hbm4b:s10+s2] =	stream.linear.scatter [tilespmem:s2], [sflag:$0x1], $0x10000, $0x38;
	[tilespmem:$0x1F800] =	vst v63  }
0x121: {  	_ =	swait.ge [sflag:s20], $0x10000  }
0x122: {  	[sflag:s20] =	ssyncset.done $0x0  }
0x123: {  	[sflag:s20] =	ssyncadd.s32 $0xFFFF0000  }
0x124: {  	_ =	swait.ge [sflag:s20], $0x10000  }
0x125: {  	[sflag:s20] =	ssyncset.done $0x0  }
0x126: {  	[sflag:s20] =	ssyncadd.s32 $0xFFFF0000  }
0x127: {  	_ =	swait.ge [sflag:s20], $0x10000  }
0x128: {  	[sflag:s20] =	ssyncset.done $0x0  }
0x129: {  	[sflag:s20] =	ssyncadd.s32 $0xFFFF0000  }
0x12a: {  	_ =	swait.ge [sflag:s20], $0x10000  }
0x12b: {  	[sflag:s20] =	ssyncset.done $0x0  }
0x12c: {  	[sflag:s20] =	ssyncadd.s32 $0xFFFF0000  }
0x12d: {  	_ =	swait.ge [sflag:s20], $0x10000  }
0x12e: {  	[sflag:s20] =	ssyncset.done $0x0  }
0x12f: {  	[sflag:s20] =	ssyncadd.s32 $0xFFFF0000  }
0x130: {  	_ =	swait.ge [sflag:s20], $0x10000  }
0x131: {  	[sflag:s20] =	ssyncset.done $0x0  }
0x132: {  	[sflag:s20] =	ssyncadd.s32 $0xFFFF0000  }
0x133: {  	_ =	swait.ge [sflag:s20], $0x10000  }
0x134: {  	[sflag:s20] =	ssyncset.done $0x0  }
0x135: {  	[sflag:s20] =	ssyncadd.s32 $0xFFFF0000  }
0x136: {  	_ =	swait.ge [sflag:s20], $0x10000  }
0x137: {  	[sflag:s20] =	ssyncset.done $0x0  }
0x138: {  	[sflag:s20] =	ssyncadd.s32 $0xFFFF0000  }
0x139: {  	_ =	swait.ge [sflag:s20], $0x10000  }
0x13a: {  	[sflag:s20] =	ssyncset.done $0x0  }
0x13b: {  	[sflag:s20] =	ssyncadd.s32 $0xFFFF0000  }
0x13c: {  	_ =	swait.ge [sflag:s20], $0x10000  }
0x13d: {  	[sflag:s20] =	ssyncset.done $0x0  }
0x13e: {  	[sflag:s20] =	ssyncadd.s32 $0xFFFF0000  }
0x13f: {  	_ =	swait.ge [sflag:s20], $0x10000  }
0x140: {  	[sflag:s20] =	ssyncset.done $0x0  }
0x141: {  	[sflag:s20] =	ssyncadd.s32 $0xFFFF0000  }
0x142: {  	_ =	swait.ge [sflag:s20], $0x10000  }
0x143: {  	[sflag:s20] =	ssyncset.done $0x0  }
0x144: {  	[sflag:s20] =	ssyncadd.s32 $0xFFFF0000  }
0x145: {  	_ =	swait.ge [sflag:s20], $0x10000  }
0x146: {  	[sflag:s20] =	ssyncset.done $0x0  }
0x147: {  	[sflag:s20] =	ssyncadd.s32 $0xFFFF0000  }
0x148: {  	_ =	swait.ge [sflag:s20], $0x10000  }
0x149: {  	[sflag:s20] =	ssyncset.done $0x0  }
0x14a: {  	[sflag:s20] =	ssyncadd.s32 $0xFFFF0000  }
0x14b: {  	_ =	swait.ge [sflag:s20], $0x10000  }
0x14c: {  	[sflag:s20] =	ssyncset.done $0x0  }
0x14d: {  	[sflag:s20] =	ssyncadd.s32 $0xFFFF0000  }
0x14e: {  	_ =	swait.ge [sflag:s20], $0x10000  }
0x14f: {  	[sflag:s20] =	ssyncset.done $0x0  }
0x150: {  	[sflag:s20] =	ssyncadd.s32 $0xFFFF0000  }
0x151: {  	_ =	swait.ge [sflag:s20], $0x10000  }
0x152: {  	[sflag:s20] =	ssyncset.done $0x0  }
0x153: {  	[sflag:s20] =	ssyncadd.s32 $0xFFFF0000  }
0x154: {  	_ =	swait.ge [sflag:s20], $0x10000  }
0x155: {  	[sflag:s20] =	ssyncset.done $0x0  }
0x156: {  	[sflag:s20] =	ssyncadd.s32 $0xFFFF0000  }
0x157: {  	_ =	swait.ge [sflag:s20], $0x10000  }
0x158: {  	[sflag:s20] =	ssyncset.done $0x0  }
0x159: {  	[sflag:s20] =	ssyncadd.s32 $0xFFFF0000  }
0x15a: {  	_ =	swait.ge [sflag:s20], $0x10000  }
0x15b: {  	[sflag:s20] =	ssyncset.done $0x0  }
0x15c: {  	p0 =	sne.s32 s0, $0x1;
	[sflag:s20] =	ssyncadd.s32 $0xFFFF0000  }
.Ltmp1:
0x15d: {  	_ =	swait.ge [sflag:s20], $0x10000;
	(pc) =	sbr.rel @p0 .LBB2_1-.Ltmp1, $4  }
0x15e: {  	[sflag:s20] =	ssyncset.done $0x0  }
0x15f: {  	[sflag:s20] =	ssyncadd.s32 $0xFFFF0000  }
0x160: {  	_ =	swait.ge [sflag:s20], $0x10000  }
0x161: {  	s0 =	sadd.s32 $0xFFFFFFFF, s0;
	[sflag:s20] =	ssyncset.done $0x0  }
.LBB2_2:
0x162: {  	[sflag:s20] =	ssyncadd.s32 $0xFFFF0000  }
0x163: {  	_ =	swait.ge [sflag:s20], $0x10000  }
0x164: {  	[sflag:s20] =	ssyncset.done $0x0  }
0x165: {  	[sflag:s20] =	ssyncadd.s32 $0xFFFF0000  }
0x166: {  	_ =	swait.ge [sflag:s20], $0x10000  }
0x167: {  	[sflag:s20] =	ssyncset.done $0x0  }
0x168: {  	[sflag:s20] =	ssyncadd.s32 $0xFFFF0000  }
0x169: {  	_ =	swait.ge [sflag:s20], $0x10000  }
0x16a: {  	[sflag:s20] =	ssyncset.done $0x0  }
0x16b: {  	[sflag:s20] =	ssyncadd.s32 $0xFFFF0000  }
0x16c: {  	_ =	swait.ge [sflag:s20], $0x10000  }
0x16d: {  	[sflag:s20] =	ssyncset.done $0x0  }
0x16e: {  	[sflag:s20] =	ssyncadd.s32 $0xFFFF0000  }
0x16f: {  	_ =	swait.ge [sflag:s20], $0x10000  }
0x170: {  	[sflag:s20] =	ssyncset.done $0x0  }
0x171: {  	[sflag:s20] =	ssyncadd.s32 $0xFFFF0000  }
0x172: {  	_ =	swait.ge [sflag:s20], $0x10000  }
0x173: {  	[sflag:s20] =	ssyncset.done $0x0  }
0x174: {  	[sflag:s20] =	ssyncadd.s32 $0xFFFF0000  }
0x175: {  	_ =	swait.ge [sflag:s20], $0x10000  }
0x176: {  	[sflag:s20] =	ssyncset.done $0x0  }
0x177: {  	[sflag:s20] =	ssyncadd.s32 $0xFFFF0000  }
0x178: {  	_ =	swait.ge [sflag:s20], $0x10000  }
0x179: {  	[sflag:s20] =	ssyncset.done $0x0  }
0x17a: {  	[sflag:s20] =	ssyncadd.s32 $0xFFFF0000  }
0x17b: {  	_ =	swait.ge [sflag:s20], $0x10000  }
0x17c: {  	[sflag:s20] =	ssyncset.done $0x0  }
0x17d: {  	[sflag:s20] =	ssyncadd.s32 $0xFFFF0000  }
0x17e: {  	_ =	swait.ge [sflag:s20], $0x10000  }
0x17f: {  	[sflag:s20] =	ssyncset.done $0x0  }
0x180: {  	[sflag:s20] =	ssyncadd.s32 $0xFFFF0000  }
0x181: {  	_ =	sfence.sel $0x180000  }
0x182: {  	[bflag:$0x0] =	sbarrier.arrive $0xFFFF  }
0x183: {  	_ =	strace $0x90000047  }
0x184: {  	s0 =	stileid.u32;
	[bflag:$0x2] =	sbarrier.arrive $0xFFFF  }
0x185: {  	p0 =	sne.s32 s0, $0x0;
	s0 =	rddreg [dreg:$0x2]  }
0x186: {  	s0 =	sadd.s32 @!p0 $0x100000, s0  }
0x187: {  	[sflag:s0] =	ssyncadd.tile.s32 @!p0 $0x1;
	_ =	shalt  }
.Lfunc_end2:
_tile_overlayer_lowered:
.L_overlay_start_2:
0x188: {  	(tag) =	ssettag $0x2  }
0x189: {  	s0 =	rddreg [dreg:$0x0];
	s2 =	stileid.u32  }
0x18a: {  	s1 =	rddreg [dreg:$0x1];
	p0 =	sne.s32 s2, $0x0  }
0x18b: {  	s3 =	rddreg [dreg:$0x2];
	[bflag:$0x3] =	sbarrier.arrive $0xFFFF;
	s2 =	simm.s32 @!p0 $0x1C02  }
0x18c: {  	[timem:s3], [sflag:s2] =	dma.local @!p0 [hbm:s0], s1  }
0x18d: {  	s0 =	simm.s32 @!p0 $0x2  }
0x18e: {  	_ =	swait.ge @!p0 [sflag:s0], s1  }
0x18f: {  	s1 =	ssub.s32 @!p0 $0x0, s1;
	[sflag:s0] =	ssyncset.done @!p0 $0x0  }
0x190: {  	[sflag:s0] =	ssyncadd.s32 @!p0 s1  }
0x191: {  	[bflag:$0x3] =	sbarrier.arrive $0xFFFF  }
0x192: {  	_ =	shalt  }

</sc_bundles>
